<compile_context>
chip_gen: v7x
topology: tpu7x:2x2x1
jax: 0.10.2.dev20260603
libtpu: 0.0.44.dev20260713+nightly
codegen_flags: <defaults>
</compile_context>

<pallas_src>
import functools

import jax
import jax.numpy as jnp
from jax import lax
from jax.experimental import pallas as pl
from jax.experimental.pallas import tpu as pltpu
from jax.experimental.pallas import tpu_sc as plsc

NC = 2
NS = 16
CH = 128


def _mesh():
    return plsc.VectorSubcoreMesh(core_axis_name="c", subcore_axis_name="s")


def _make_deg_dinv(N, CPT, RPT):
    NPAD = NS * RPT
    RW = NPAD // (NC * NS)

    @functools.partial(
        pl.kernel,
        out_type=jax.ShapeDtypeStruct((NPAD,), jnp.float32),
        mesh=_mesh(),
        scratch_types=[
            pltpu.VMEM((CPT, CH), jnp.int32),
            pltpu.VMEM((CH,), jnp.float32),
            pltpu.VMEM((RW,), jnp.float32),
            pltpu.VMEM_SHARED((NPAD,), jnp.float32),
        ],
    )
    def deg_kernel(dst_hbm, zeros_hbm, dinv_hbm, idx_v, ones_v, dbuf, deg_sp):
        c = lax.axis_index("c")
        s = lax.axis_index("s")
        pltpu.sync_copy(zeros_hbm, deg_sp.at[pl.ds(s * RPT, RPT)])
        pltpu.sync_copy(dst_hbm.at[s], idx_v)
        for i in range(CH // 16):
            ones_v[pl.ds(i * 16, 16)] = jnp.ones((16,), jnp.float32)
        plsc.subcore_barrier()

        def step(j, carry):
            pltpu.sync_copy(ones_v, deg_sp.at[idx_v.at[j]], add=True)
            return carry

        lax.fori_loop(0, CPT, step, 0)
        plsc.subcore_barrier()

        wid = s * NC + c
        pltpu.sync_copy(deg_sp.at[pl.ds(wid * RW, RW)], dbuf)

        def rsqrt_step(i, carry):
            d = dbuf[pl.ds(i * 16, 16)] + 1.0
            di = lax.bitcast_convert_type(d, jnp.int32)
            yi = jnp.full((16,), 0x5F3759DF, jnp.int32) - (di >> 1)
            y = lax.bitcast_convert_type(yi, jnp.float32)
            for _ in range(3):
                y = y * (1.5 - 0.5 * d * y * y)
            dbuf[pl.ds(i * 16, 16)] = y
            return carry

        lax.fori_loop(0, RW // 16, rsqrt_step, 0)
        pltpu.sync_copy(dbuf, dinv_hbm.at[pl.ds(wid * RW, RW)])

    return deg_kernel


def _make_agg(N, D, CPT, RPT, CPG):
    NPAD = NS * RPT
    NG = CPT // CPG

    @functools.partial(
        pl.kernel,
        out_type=jax.ShapeDtypeStruct((NC, NPAD, D), jnp.float32),
        mesh=_mesh(),
        scratch_types=[
            pltpu.VMEM((CPG, CH), jnp.int32),
            pltpu.VMEM((CPG, CH), jnp.int32),
            pltpu.VMEM((CH, D), jnp.float32),
            pltpu.VMEM_SHARED((NPAD, D), jnp.float32),
        ],
    )
    def agg_kernel(table_hbm, src_hbm, dst_hbm, zeros_hbm, out_hbm,
                   src_v, dst_v, msg_v, acc_sp):
        c = lax.axis_index("c")
        s = lax.axis_index("s")
        pltpu.sync_copy(zeros_hbm, acc_sp.at[pl.ds(s * RPT, RPT)])
        plsc.subcore_barrier()

        def group(g, carry):
            pltpu.sync_copy(src_hbm.at[c, s, pl.ds(g * CPG, CPG)], src_v)
            pltpu.sync_copy(dst_hbm.at[c, s, pl.ds(g * CPG, CPG)], dst_v)

            def step(j, carry2):
                pltpu.sync_copy(table_hbm.at[src_v.at[j]], msg_v)
                pltpu.sync_copy(msg_v, acc_sp.at[dst_v.at[j]], add=True)
                return carry2

            lax.fori_loop(0, CPG, step, 0)
            return carry

        lax.fori_loop(0, NG, group, 0)
        plsc.subcore_barrier()
        pltpu.sync_copy(acc_sp.at[pl.ds(s * RPT, RPT)],
                        out_hbm.at[c, pl.ds(s * RPT, RPT)])

    return agg_kernel


def _tc_prescale(x, W, dinv2d, RB):
    N, Fin = x.shape
    H = W.shape[1]
    HH = H // NC
    NRB = N // RB

    def body(x_ref, w_ref, dinv_ref, o_ref):
        h = lax.dot_general(x_ref[...], w_ref[...], (((1,), (0,)), ((), ())),
                            precision=lax.Precision.HIGHEST,
                            preferred_element_type=jnp.float32)
        o_ref[...] = h * dinv_ref[...]

    return pl.pallas_call(
        body,
        grid=(NC, NRB),
        in_specs=[
            pl.BlockSpec((RB, Fin), lambda c, r: (r, 0)),
            pl.BlockSpec((Fin, HH), lambda c, r: (0, c)),
            pl.BlockSpec((RB, 1), lambda c, r: (r, 0)),
        ],
        out_specs=pl.BlockSpec((RB, HH), lambda c, r: (c * NRB + r, 0)),
        out_shape=jax.ShapeDtypeStruct((NC * N, HH), jnp.float32),
    )(x, W, dinv2d)


def _tc_mid(acc, hp, dinv2d, b2d, W, RB):
    _, _, HH = acc.shape
    N = hp.shape[0] // NC
    H = NC * HH
    Fout = W.shape[1]
    NRB = N // RB

    def body(accA, accB, hA, hB, dinv_ref, b_ref, w_ref, o_ref):
        agg = jnp.concatenate([accA[0], accB[0]], axis=1)
        hh = jnp.concatenate([hA[...], hB[...]], axis=1)
        z = jnp.maximum((agg + hh) * dinv_ref[...] + b_ref[...], 0.0)
        y = lax.dot_general(z, w_ref[...], (((1,), (0,)), ((), ())),
                            precision=lax.Precision.HIGHEST,
                            preferred_element_type=jnp.float32)
        o_ref[...] = y * dinv_ref[...]

    return pl.pallas_call(
        body,
        grid=(NRB,),
        in_specs=[
            pl.BlockSpec((1, RB, HH), lambda r: (0, r, 0)),
            pl.BlockSpec((1, RB, HH), lambda r: (1, r, 0)),
            pl.BlockSpec((RB, HH), lambda r: (r, 0)),
            pl.BlockSpec((RB, HH), lambda r: (NRB + r, 0)),
            pl.BlockSpec((RB, 1), lambda r: (r, 0)),
            pl.BlockSpec((1, H), lambda r: (0, 0)),
            pl.BlockSpec((H, Fout), lambda r: (0, 0)),
        ],
        out_specs=pl.BlockSpec((RB, Fout), lambda r: (r, 0)),
        out_shape=jax.ShapeDtypeStruct((N, Fout), jnp.float32),
    )(acc, acc, hp, hp, dinv2d, b2d, W)


def _tc_final(acc, hp, dinv2d, b2d, RB):
    _, _, Fout = acc.shape
    N = hp.shape[0]
    NRB = N // RB

    def body(accA, accB, h_ref, dinv_ref, b_ref, o_ref):
        agg = accA[0] + accB[0] + h_ref[...]
        o_ref[...] = jnp.maximum(agg * dinv_ref[...] + b_ref[...], 0.0)

    return pl.pallas_call(
        body,
        grid=(NRB,),
        in_specs=[
            pl.BlockSpec((1, RB, Fout), lambda r: (0, r, 0)),
            pl.BlockSpec((1, RB, Fout), lambda r: (1, r, 0)),
            pl.BlockSpec((RB, Fout), lambda r: (r, 0)),
            pl.BlockSpec((RB, 1), lambda r: (r, 0)),
            pl.BlockSpec((1, Fout), lambda r: (0, 0)),
        ],
        out_specs=pl.BlockSpec((RB, Fout), lambda r: (r, 0)),
        out_shape=jax.ShapeDtypeStruct((N, Fout), jnp.float32),
    )(acc, acc, hp, dinv2d, b2d)


def kernel(x, edge_index, W0, b0, W1, b1):
    N, Fin = x.shape
    H = W0.shape[1]
    Fout = W1.shape[1]
    E = edge_index.shape[1]
    RB = 400

    CPG = 16
    ept = -(-E // NS)
    CPT = -(-ept // (CH * CPG)) * CPG
    EPAD = NS * CPT * CH
    RPT = -(-(-(-N // NS)) // 16) * 16
    NPAD = NS * RPT

    ei = edge_index.astype(jnp.int32)
    src, dst = ei[0], ei[1]
    pad = EPAD - E
    srcp = jnp.concatenate([src, jnp.zeros((pad,), jnp.int32)])
    dstp = jnp.concatenate([dst, jnp.full((pad,), N, jnp.int32)])

    src_t = srcp.reshape(NS, CPT, CH)
    dst_t = dstp.reshape(NS, CPT, CH)
    src1 = jnp.stack([src_t, src_t + N])
    dst1 = jnp.stack([dst_t, dst_t])
    CPT2 = CPT // NC
    src2 = srcp.reshape(NC, NS, CPT2, CH)
    dst2 = dstp.reshape(NC, NS, CPT2, CH)

    zeros1 = jnp.zeros((RPT,), jnp.float32)
    zeros_h = jnp.zeros((RPT, H // NC), jnp.float32)
    zeros_f = jnp.zeros((RPT, Fout), jnp.float32)

    dinv_full = _make_deg_dinv(N, CPT, RPT)(dst_t, zeros1)
    dinv2d = dinv_full[:N].reshape(N, 1)

    h0p = _tc_prescale(x, W0, dinv2d, RB)
    acc0 = _make_agg(N, H // NC, CPT, RPT, CPG)(h0p, src1, dst1,
                                                zeros_h)
    h1p = _tc_mid(acc0, h0p, dinv2d, b0.reshape(1, H), W1, RB)
    acc1 = _make_agg(N, Fout, CPT2, RPT, CPG)(h1p, src2, dst2,
                                              zeros_f)
    return _tc_final(acc1, h1p, dinv2d, b1.reshape(1, Fout), RB)

# --- scband reference (transcript-rebuilt; emitter-appended) ---
"""Pipeline reference for scband-encoder-67396626808850 (READ-ONLY COPY).

The authoritative reference and input builder live on the scoring server;
editing this copy changes nothing except your own understanding.
"""

import jax, jax.numpy as jnp
import numpy as np


def gcn_conv(x, edge_index, W, b):
    # Faithful PyG GCNConv: lin -> add self loops -> sym-norm -> scatter-add -> + bias
    N = x.shape[0]
    h = x @ W
    loop = jnp.arange(N, dtype=edge_index.dtype)
    src = jnp.concatenate([edge_index[0], loop])
    dst = jnp.concatenate([edge_index[1], loop])
    ones = jnp.ones(src.shape[0], dtype=h.dtype)
    deg = jax.ops.segment_sum(ones, dst, num_segments=N)
    dinv = jnp.where(deg > 0, deg ** -0.5, 0.0)
    norm = dinv[src] * dinv[dst]
    msg = h[src] * norm[:, None]
    out = jax.ops.segment_sum(msg, dst, num_segments=N)
    return out + b


def glorot(key, shape):
    fan_in, fan_out = shape[0], shape[1]
    limit = np.sqrt(6.0 / (fan_in + fan_out))
    return jax.random.uniform(key, shape, dtype=jnp.float32, minval=-limit, maxval=limit)


def setup_inputs(seed: int = 0) -> dict:
    key = jax.random.key(seed)
    k_x, k_e, k_w0, k_w1 = jax.random.split(key, 4)
    N = 10000
    E = 320000
    in_ch = 128
    out_ch = 128
    hid = 2 * out_ch
    x = jax.random.normal(k_x, (N, in_ch), dtype=jnp.float32)
    edge_index = jax.random.randint(k_e, (2, E), 0, N, dtype=jnp.int64)
    W0 = glorot(k_w0, (in_ch, hid))
    b0 = jnp.zeros((hid,), dtype=jnp.float32)
    W1 = glorot(k_w1, (hid, out_ch))
    b1 = jnp.zeros((out_ch,), dtype=jnp.float32)
    return {"x": x, "edge_index": edge_index, "W0": W0, "b0": b0, "W1": W1, "b1": b1}


def reference(x, edge_index, W0, b0, W1, b1):
    h = jax.nn.relu(gcn_conv(x, edge_index, W0, b0))
    h = jax.nn.relu(gcn_conv(h, edge_index, W1, b1))
    return h

if __name__ == "__main__":
    import jax
    _d = setup_inputs()
    print(jax.jit(kernel)(*tuple(_d.values())))

</pallas_src>

<mosaic_0001>
#map = affine_map<(d0, d1) -> (0, 0)>
#map1 = affine_map<(d0, d1) -> (0, 0, 0, 0)>
#map2 = affine_map<(d0, d1) -> (0, 0, 0)>
module attributes {stable_mosaic.version = 14 : i64} {
  func.func @agg_kernel(%arg0: i32, %arg1: i32, %arg2: memref<20000x128xf32, #tpu.memory_space<hbm>>, %arg3: memref<2x16x160x128xi32, #tpu.memory_space<hbm>>, %arg4: memref<2x16x160x128xi32, #tpu.memory_space<hbm>>, %arg5: memref<640x128xf32, #tpu.memory_space<hbm>>, %arg6: memref<2x10240x128xf32, #tpu.memory_space<hbm>>, %arg7: memref<16x128xi32, #tpu.memory_space<vmem>>, %arg8: memref<16x128xi32, #tpu.memory_space<vmem>>, %arg9: memref<128x128xf32, #tpu.memory_space<vmem>>, %arg10: memref<10240x128xf32, #tpu.memory_space<vmem_shared>>) attributes {dimension_semantics = [#tpu.dimension_semantics<core_parallel>, #tpu.dimension_semantics<subcore_parallel>], iteration_bounds = array<i64: 2, 16>, scalar_prefetch = 0 : i64, scratch_operands = 4 : i64, tpu.core_type = #tpu.core_type<sc_vector_subcore>, window_params = [{transform_indices = #map}, {transform_indices = #map1}, {transform_indices = #map1}, {transform_indices = #map}, {transform_indices = #map2}]} {
    %mul3A = arith.constant 640 : i32
    %mul3A_0 = arith.muli %arg1, %mul3A : i32
    "tpu.region"() ({
      %run_scoped3A = tpu.sem_alloc : memref<!tpu.dma_semaphore, #tpu.memory_space<semaphore_mem>>
      %dma_start3A = arith.constant 0 : i32
      %dma_start3A_11 = tpu.memref_slice %arg10[%mul3A_0, %dma_start3A] : memref<10240x128xf32, #tpu.memory_space<vmem_shared>> -> memref<640x128xf32, #tpu.memory_space<vmem_shared>>
      tpu.enqueue_dma source(%arg5 : memref<640x128xf32, #tpu.memory_space<hbm>>) target(%dma_start3A_11 : memref<640x128xf32, #tpu.memory_space<vmem_shared>>) target_semaphore(%run_scoped3A : memref<!tpu.dma_semaphore, #tpu.memory_space<semaphore_mem>>)
      %dma_wait3A = arith.constant 0 : i32
      %dma_wait3A_12 = tpu.memref_slice %arg10[%mul3A_0, %dma_wait3A] : memref<10240x128xf32, #tpu.memory_space<vmem_shared>> -> memref<640x128xf32, #tpu.memory_space<vmem_shared>>
      tpu.wait_dma2 semaphore(%run_scoped3A : memref<!tpu.dma_semaphore, #tpu.memory_space<semaphore_mem>>) src(%arg5 : memref<640x128xf32, #tpu.memory_space<hbm>>) dst(%dma_wait3A_12 : memref<640x128xf32, #tpu.memory_space<vmem_shared>>)
      tpu.yield
    }) : () -> ()
    %barrier3A = arith.constant 0 : index
    tpu.barrier barrier_id(%barrier3A)
    %scan3A = arith.constant 0 : i32
    %scan3A_1 = arith.constant 0 : i32
    %scan3A_2 = arith.constant 10 : i32
    %scan3A_3 = arith.addi %scan3A_1, %scan3A_2 : i32
    %scan3A_4 = arith.constant 1 : i32
    scf.for %scan3A_11 = %scan3A_1 to %scan3A_3 step %scan3A_4  : i32 {
      %mul3A_12 = arith.constant 16 : i32
      %mul3A_13 = arith.muli %scan3A_11, %mul3A_12 : i32
      "tpu.region"() ({
        %run_scoped3A = tpu.sem_alloc : memref<!tpu.dma_semaphore, #tpu.memory_space<semaphore_mem>>
        %dma_start3A = arith.constant 0 : i32
        %dma_start3A_22 = tpu.memref_slice %arg3[%arg0, %arg1, %mul3A_13, %dma_start3A] : memref<2x16x160x128xi32, #tpu.memory_space<hbm>> -> memref<1x1x16x128xi32, #tpu.memory_space<hbm>>
        %dma_start3A_23 = tpu.memref_squeeze %dma_start3A_22 : memref<1x1x16x128xi32, #tpu.memory_space<hbm>> -> memref<16x128xi32, #tpu.memory_space<hbm>>
        %dma_start3A_24 = arith.constant 0 : i32
        %dma_start3A_25 = tpu.memref_slice %arg3[%arg0, %arg1, %mul3A_13, %dma_start3A_24] : memref<2x16x160x128xi32, #tpu.memory_space<hbm>> -> memref<1x1x16x128xi32, #tpu.memory_space<hbm>>
        %dma_start3A_26 = tpu.memref_squeeze %dma_start3A_25 : memref<1x1x16x128xi32, #tpu.memory_space<hbm>> -> memref<16x128xi32, #tpu.memory_space<hbm>>
        tpu.enqueue_dma source(%dma_start3A_26 : memref<16x128xi32, #tpu.memory_space<hbm>>) target(%arg7 : memref<16x128xi32, #tpu.memory_space<vmem>>) target_semaphore(%run_scoped3A : memref<!tpu.dma_semaphore, #tpu.memory_space<semaphore_mem>>)
        %dma_wait3A = arith.constant 0 : i32
        %dma_wait3A_27 = tpu.memref_slice %arg3[%arg0, %arg1, %mul3A_13, %dma_wait3A] : memref<2x16x160x128xi32, #tpu.memory_space<hbm>> -> memref<1x1x16x128xi32, #tpu.memory_space<hbm>>
        %dma_wait3A_28 = tpu.memref_squeeze %dma_wait3A_27 : memref<1x1x16x128xi32, #tpu.memory_space<hbm>> -> memref<16x128xi32, #tpu.memory_space<hbm>>
        %dma_wait3A_29 = arith.constant 0 : i32
        %dma_wait3A_30 = tpu.memref_slice %arg3[%arg0, %arg1, %mul3A_13, %dma_wait3A_29] : memref<2x16x160x128xi32, #tpu.memory_space<hbm>> -> memref<1x1x16x128xi32, #tpu.memory_space<hbm>>
        %dma_wait3A_31 = tpu.memref_squeeze %dma_wait3A_30 : memref<1x1x16x128xi32, #tpu.memory_space<hbm>> -> memref<16x128xi32, #tpu.memory_space<hbm>>
        tpu.wait_dma2 semaphore(%run_scoped3A : memref<!tpu.dma_semaphore, #tpu.memory_space<semaphore_mem>>) src(%dma_wait3A_31 : memref<16x128xi32, #tpu.memory_space<hbm>>) dst(%arg7 : memref<16x128xi32, #tpu.memory_space<vmem>>)
        tpu.yield
      }) : () -> ()
      %mul3A_14 = arith.constant 16 : i32
      %mul3A_15 = arith.muli %scan3A_11, %mul3A_14 : i32
      "tpu.region"() ({
        %run_scoped3A = tpu.sem_alloc : memref<!tpu.dma_semaphore, #tpu.memory_space<semaphore_mem>>
        %dma_start3A = arith.constant 0 : i32
        %dma_start3A_22 = tpu.memref_slice %arg4[%arg0, %arg1, %mul3A_15, %dma_start3A] : memref<2x16x160x128xi32, #tpu.memory_space<hbm>> -> memref<1x1x16x128xi32, #tpu.memory_space<hbm>>
        %dma_start3A_23 = tpu.memref_squeeze %dma_start3A_22 : memref<1x1x16x128xi32, #tpu.memory_space<hbm>> -> memref<16x128xi32, #tpu.memory_space<hbm>>
        %dma_start3A_24 = arith.constant 0 : i32
        %dma_start3A_25 = tpu.memref_slice %arg4[%arg0, %arg1, %mul3A_15, %dma_start3A_24] : memref<2x16x160x128xi32, #tpu.memory_space<hbm>> -> memref<1x1x16x128xi32, #tpu.memory_space<hbm>>
        %dma_start3A_26 = tpu.memref_squeeze %dma_start3A_25 : memref<1x1x16x128xi32, #tpu.memory_space<hbm>> -> memref<16x128xi32, #tpu.memory_space<hbm>>
        tpu.enqueue_dma source(%dma_start3A_26 : memref<16x128xi32, #tpu.memory_space<hbm>>) target(%arg8 : memref<16x128xi32, #tpu.memory_space<vmem>>) target_semaphore(%run_scoped3A : memref<!tpu.dma_semaphore, #tpu.memory_space<semaphore_mem>>)
        %dma_wait3A = arith.constant 0 : i32
        %dma_wait3A_27 = tpu.memref_slice %arg4[%arg0, %arg1, %mul3A_15, %dma_wait3A] : memref<2x16x160x128xi32, #tpu.memory_space<hbm>> -> memref<1x1x16x128xi32, #tpu.memory_space<hbm>>
        %dma_wait3A_28 = tpu.memref_squeeze %dma_wait3A_27 : memref<1x1x16x128xi32, #tpu.memory_space<hbm>> -> memref<16x128xi32, #tpu.memory_space<hbm>>
        %dma_wait3A_29 = arith.constant 0 : i32
        %dma_wait3A_30 = tpu.memref_slice %arg4[%arg0, %arg1, %mul3A_15, %dma_wait3A_29] : memref<2x16x160x128xi32, #tpu.memory_space<hbm>> -> memref<1x1x16x128xi32, #tpu.memory_space<hbm>>
        %dma_wait3A_31 = tpu.memref_squeeze %dma_wait3A_30 : memref<1x1x16x128xi32, #tpu.memory_space<hbm>> -> memref<16x128xi32, #tpu.memory_space<hbm>>
        tpu.wait_dma2 semaphore(%run_scoped3A : memref<!tpu.dma_semaphore, #tpu.memory_space<semaphore_mem>>) src(%dma_wait3A_31 : memref<16x128xi32, #tpu.memory_space<hbm>>) dst(%arg8 : memref<16x128xi32, #tpu.memory_space<vmem>>)
        tpu.yield
      }) : () -> ()
      %scan3A_16 = arith.constant 0 : i32
      %scan3A_17 = arith.constant 0 : i32
      %scan3A_18 = arith.constant 16 : i32
      %scan3A_19 = arith.addi %scan3A_17, %scan3A_18 : i32
      %scan3A_20 = arith.constant 1 : i32
      scf.for %scan3A_22 = %scan3A_17 to %scan3A_19 step %scan3A_20  : i32 {
        "tpu.region"() ({
          %run_scoped3A = tpu.sem_alloc : memref<!tpu.dma_semaphore, #tpu.memory_space<semaphore_mem>>
          %dma_start3A = arith.constant 0 : i32
          %dma_start3A_23 = tpu.memref_slice %arg7[%scan3A_22, %dma_start3A] : memref<16x128xi32, #tpu.memory_space<vmem>> -> memref<1x128xi32, #tpu.memory_space<vmem>>
          %dma_start3A_24 = tpu.memref_squeeze %dma_start3A_23 : memref<1x128xi32, #tpu.memory_space<vmem>> -> memref<128xi32, #tpu.memory_space<vmem>>
          %dma_start3A_25 = arith.constant 0 : i32
          %dma_start3A_26 = arith.constant 0 : i32
          %dma_start3A_27 = tpu.memref_slice %arg2[%dma_start3A_25, %dma_start3A_26] : memref<20000x128xf32, #tpu.memory_space<hbm>> -> memref<20000x128xf32, #tpu.memory_space<hbm>>
          tpu.enqueue_indirect_dma source(%dma_start3A_27 : memref<20000x128xf32, #tpu.memory_space<hbm>>) target(%arg9 : memref<128x128xf32, #tpu.memory_space<vmem>>) offsets(%dma_start3A_24 : memref<128xi32, #tpu.memory_space<vmem>>) semaphore(%run_scoped3A : memref<!tpu.dma_semaphore, #tpu.memory_space<semaphore_mem>>)
          %dma_wait3A = arith.constant 0 : i32
          %dma_wait3A_28 = tpu.memref_slice %arg7[%scan3A_22, %dma_wait3A] : memref<16x128xi32, #tpu.memory_space<vmem>> -> memref<1x128xi32, #tpu.memory_space<vmem>>
          %dma_wait3A_29 = tpu.memref_squeeze %dma_wait3A_28 : memref<1x128xi32, #tpu.memory_space<vmem>> -> memref<128xi32, #tpu.memory_space<vmem>>
          %dma_wait3A_30 = arith.constant 0 : i32
          %dma_wait3A_31 = arith.constant 0 : i32
          %dma_wait3A_32 = tpu.memref_slice %arg2[%dma_wait3A_30, %dma_wait3A_31] : memref<20000x128xf32, #tpu.memory_space<hbm>> -> memref<20000x128xf32, #tpu.memory_space<hbm>>
          tpu.wait_indirect_dma semaphore(%run_scoped3A : memref<!tpu.dma_semaphore, #tpu.memory_space<semaphore_mem>>) src(%dma_wait3A_32 : memref<20000x128xf32, #tpu.memory_space<hbm>>) dst(%arg9 : memref<128x128xf32, #tpu.memory_space<vmem>>)
          tpu.yield
        }) : () -> ()
        "tpu.region"() ({
          %run_scoped3A = tpu.sem_alloc : memref<!tpu.dma_semaphore, #tpu.memory_space<semaphore_mem>>
          %dma_start3A = arith.constant 0 : i32
          %dma_start3A_23 = tpu.memref_slice %arg8[%scan3A_22, %dma_start3A] : memref<16x128xi32, #tpu.memory_space<vmem>> -> memref<1x128xi32, #tpu.memory_space<vmem>>
          %dma_start3A_24 = tpu.memref_squeeze %dma_start3A_23 : memref<1x128xi32, #tpu.memory_space<vmem>> -> memref<128xi32, #tpu.memory_space<vmem>>
          %dma_start3A_25 = arith.constant 0 : i32
          %dma_start3A_26 = arith.constant 0 : i32
          %dma_start3A_27 = tpu.memref_slice %arg10[%dma_start3A_25, %dma_start3A_26] : memref<10240x128xf32, #tpu.memory_space<vmem_shared>> -> memref<10240x128xf32, #tpu.memory_space<vmem_shared>>
          tpu.enqueue_indirect_dma source(%arg9 : memref<128x128xf32, #tpu.memory_space<vmem>>) target(%dma_start3A_27 : memref<10240x128xf32, #tpu.memory_space<vmem_shared>>) offsets(%dma_start3A_24 : memref<128xi32, #tpu.memory_space<vmem>>) semaphore(%run_scoped3A : memref<!tpu.dma_semaphore, #tpu.memory_space<semaphore_mem>>) {add = true}
          %dma_wait3A = arith.constant 0 : i32
          %dma_wait3A_28 = tpu.memref_slice %arg8[%scan3A_22, %dma_wait3A] : memref<16x128xi32, #tpu.memory_space<vmem>> -> memref<1x128xi32, #tpu.memory_space<vmem>>
          %dma_wait3A_29 = tpu.memref_squeeze %dma_wait3A_28 : memref<1x128xi32, #tpu.memory_space<vmem>> -> memref<128xi32, #tpu.memory_space<vmem>>
          %dma_wait3A_30 = arith.constant 0 : i32
          %dma_wait3A_31 = arith.constant 0 : i32
          %dma_wait3A_32 = tpu.memref_slice %arg10[%dma_wait3A_30, %dma_wait3A_31] : memref<10240x128xf32, #tpu.memory_space<vmem_shared>> -> memref<10240x128xf32, #tpu.memory_space<vmem_shared>>
          tpu.wait_indirect_dma semaphore(%run_scoped3A : memref<!tpu.dma_semaphore, #tpu.memory_space<semaphore_mem>>) src(%arg9 : memref<128x128xf32, #tpu.memory_space<vmem>>) dst(%dma_wait3A_32 : memref<10240x128xf32, #tpu.memory_space<vmem_shared>>)
          tpu.yield
        }) : () -> ()
      }
      %scan3A_21 = arith.constant 16 : i32
    }
    %scan3A_5 = arith.constant 10 : i32
    %barrier3A_6 = arith.constant 0 : index
    tpu.barrier barrier_id(%barrier3A_6)
    %mul3A_7 = arith.constant 640 : i32
    %mul3A_8 = arith.muli %arg1, %mul3A_7 : i32
    %mul3A_9 = arith.constant 640 : i32
    %mul3A_10 = arith.muli %arg1, %mul3A_9 : i32
    "tpu.region"() ({
      %run_scoped3A = tpu.sem_alloc : memref<!tpu.dma_semaphore, #tpu.memory_space<semaphore_mem>>
      %dma_start3A = arith.constant 0 : i32
      %dma_start3A_11 = tpu.memref_slice %arg6[%arg0, %mul3A_10, %dma_start3A] : memref<2x10240x128xf32, #tpu.memory_space<hbm>> -> memref<1x640x128xf32, #tpu.memory_space<hbm>>
      %dma_start3A_12 = tpu.memref_squeeze %dma_start3A_11 : memref<1x640x128xf32, #tpu.memory_space<hbm>> -> memref<640x128xf32, #tpu.memory_space<hbm>>
      %dma_start3A_13 = arith.constant 0 : i32
      %dma_start3A_14 = tpu.memref_slice %arg10[%mul3A_8, %dma_start3A_13] : memref<10240x128xf32, #tpu.memory_space<vmem_shared>> -> memref<640x128xf32, #tpu.memory_space<vmem_shared>>
      tpu.enqueue_dma source(%dma_start3A_14 : memref<640x128xf32, #tpu.memory_space<vmem_shared>>) target(%dma_start3A_12 : memref<640x128xf32, #tpu.memory_space<hbm>>) target_semaphore(%run_scoped3A : memref<!tpu.dma_semaphore, #tpu.memory_space<semaphore_mem>>)
      %dma_wait3A = arith.constant 0 : i32
      %dma_wait3A_15 = tpu.memref_slice %arg6[%arg0, %mul3A_10, %dma_wait3A] : memref<2x10240x128xf32, #tpu.memory_space<hbm>> -> memref<1x640x128xf32, #tpu.memory_space<hbm>>
      %dma_wait3A_16 = tpu.memref_squeeze %dma_wait3A_15 : memref<1x640x128xf32, #tpu.memory_space<hbm>> -> memref<640x128xf32, #tpu.memory_space<hbm>>
      %dma_wait3A_17 = arith.constant 0 : i32
      %dma_wait3A_18 = tpu.memref_slice %arg10[%mul3A_8, %dma_wait3A_17] : memref<10240x128xf32, #tpu.memory_space<vmem_shared>> -> memref<640x128xf32, #tpu.memory_space<vmem_shared>>
      tpu.wait_dma2 semaphore(%run_scoped3A : memref<!tpu.dma_semaphore, #tpu.memory_space<semaphore_mem>>) src(%dma_wait3A_18 : memref<640x128xf32, #tpu.memory_space<vmem_shared>>) dst(%dma_wait3A_16 : memref<640x128xf32, #tpu.memory_space<hbm>>)
      tpu.yield
    }) : () -> ()
    return
  }
}

#map = affine_map<(d0, d1) -> (0, 0, 0)>
#map1 = affine_map<(d0, d1) -> (0)>
module attributes {stable_mosaic.version = 14 : i64} {
  func.func @deg_kernel(%arg0: i32, %arg1: i32, %arg2: memref<16x160x128xi32, #tpu.memory_space<hbm>>, %arg3: memref<640xf32, #tpu.memory_space<hbm>>, %arg4: memref<10240xf32, #tpu.memory_space<hbm>>, %arg5: memref<160x128xi32, #tpu.memory_space<vmem>>, %arg6: memref<128xf32, #tpu.memory_space<vmem>>, %arg7: memref<320xf32, #tpu.memory_space<vmem>>, %arg8: memref<10240xf32, #tpu.memory_space<vmem_shared>>) attributes {dimension_semantics = [#tpu.dimension_semantics<core_parallel>, #tpu.dimension_semantics<subcore_parallel>], iteration_bounds = array<i64: 2, 16>, scalar_prefetch = 0 : i64, scratch_operands = 4 : i64, tpu.core_type = #tpu.core_type<sc_vector_subcore>, window_params = [{transform_indices = #map}, {transform_indices = #map1}, {transform_indices = #map1}]} {
    %mul3A = arith.constant 640 : i32
    %mul3A_0 = arith.muli %arg1, %mul3A : i32
    "tpu.region"() ({
      %run_scoped3A = tpu.sem_alloc : memref<!tpu.dma_semaphore, #tpu.memory_space<semaphore_mem>>
      %dma_start3A = tpu.memref_slice %arg8[%mul3A_0] : memref<10240xf32, #tpu.memory_space<vmem_shared>> -> memref<640xf32, #tpu.memory_space<vmem_shared>>
      tpu.enqueue_dma source(%arg3 : memref<640xf32, #tpu.memory_space<hbm>>) target(%dma_start3A : memref<640xf32, #tpu.memory_space<vmem_shared>>) target_semaphore(%run_scoped3A : memref<!tpu.dma_semaphore, #tpu.memory_space<semaphore_mem>>)
      %dma_wait3A = tpu.memref_slice %arg8[%mul3A_0] : memref<10240xf32, #tpu.memory_space<vmem_shared>> -> memref<640xf32, #tpu.memory_space<vmem_shared>>
      tpu.wait_dma2 semaphore(%run_scoped3A : memref<!tpu.dma_semaphore, #tpu.memory_space<semaphore_mem>>) src(%arg3 : memref<640xf32, #tpu.memory_space<hbm>>) dst(%dma_wait3A : memref<640xf32, #tpu.memory_space<vmem_shared>>)
      tpu.yield
    }) : () -> ()
    "tpu.region"() ({
      %run_scoped3A = tpu.sem_alloc : memref<!tpu.dma_semaphore, #tpu.memory_space<semaphore_mem>>
      %dma_start3A = arith.constant 0 : i32
      %dma_start3A_65 = arith.constant 0 : i32
      %dma_start3A_66 = tpu.memref_slice %arg2[%arg1, %dma_start3A, %dma_start3A_65] : memref<16x160x128xi32, #tpu.memory_space<hbm>> -> memref<1x160x128xi32, #tpu.memory_space<hbm>>
      %dma_start3A_67 = tpu.memref_squeeze %dma_start3A_66 : memref<1x160x128xi32, #tpu.memory_space<hbm>> -> memref<160x128xi32, #tpu.memory_space<hbm>>
      %dma_start3A_68 = arith.constant 0 : i32
      %dma_start3A_69 = arith.constant 0 : i32
      %dma_start3A_70 = tpu.memref_slice %arg2[%arg1, %dma_start3A_68, %dma_start3A_69] : memref<16x160x128xi32, #tpu.memory_space<hbm>> -> memref<1x160x128xi32, #tpu.memory_space<hbm>>
      %dma_start3A_71 = tpu.memref_squeeze %dma_start3A_70 : memref<1x160x128xi32, #tpu.memory_space<hbm>> -> memref<160x128xi32, #tpu.memory_space<hbm>>
      tpu.enqueue_dma source(%dma_start3A_71 : memref<160x128xi32, #tpu.memory_space<hbm>>) target(%arg5 : memref<160x128xi32, #tpu.memory_space<vmem>>) target_semaphore(%run_scoped3A : memref<!tpu.dma_semaphore, #tpu.memory_space<semaphore_mem>>)
      %dma_wait3A = arith.constant 0 : i32
      %dma_wait3A_72 = arith.constant 0 : i32
      %dma_wait3A_73 = tpu.memref_slice %arg2[%arg1, %dma_wait3A, %dma_wait3A_72] : memref<16x160x128xi32, #tpu.memory_space<hbm>> -> memref<1x160x128xi32, #tpu.memory_space<hbm>>
      %dma_wait3A_74 = tpu.memref_squeeze %dma_wait3A_73 : memref<1x160x128xi32, #tpu.memory_space<hbm>> -> memref<160x128xi32, #tpu.memory_space<hbm>>
      %dma_wait3A_75 = arith.constant 0 : i32
      %dma_wait3A_76 = arith.constant 0 : i32
      %dma_wait3A_77 = tpu.memref_slice %arg2[%arg1, %dma_wait3A_75, %dma_wait3A_76] : memref<16x160x128xi32, #tpu.memory_space<hbm>> -> memref<1x160x128xi32, #tpu.memory_space<hbm>>
      %dma_wait3A_78 = tpu.memref_squeeze %dma_wait3A_77 : memref<1x160x128xi32, #tpu.memory_space<hbm>> -> memref<160x128xi32, #tpu.memory_space<hbm>>
      tpu.wait_dma2 semaphore(%run_scoped3A : memref<!tpu.dma_semaphore, #tpu.memory_space<semaphore_mem>>) src(%dma_wait3A_78 : memref<160x128xi32, #tpu.memory_space<hbm>>) dst(%arg5 : memref<160x128xi32, #tpu.memory_space<vmem>>)
      tpu.yield
    }) : () -> ()
    %broadcast_in_dim3A = arith.constant 1.000000e+00 : f32
    %broadcast_in_dim3A_1 = vector.broadcast %broadcast_in_dim3A : f32 to vector<16xf32>
    %swap3A = arith.constant 0 : index
    %swap3A_2 = tpu.vector_load %arg6[%swap3A] {strides = array<i32>} : memref<128xf32, #tpu.memory_space<vmem>>, vector<16xf32>,
    %swap3A_3 = vector.shape_cast %swap3A_2 : vector<16xf32> to vector<16xf32>
    %swap3A_4 = vector.shape_cast %broadcast_in_dim3A_1 : vector<16xf32> to vector<16xf32>
    tpu.vector_store %arg6[%swap3A], %swap3A_4 {strides = array<i32>} : memref<128xf32, #tpu.memory_space<vmem>>, vector<16xf32>,
    %broadcast_in_dim3A_5 = arith.constant 1.000000e+00 : f32
    %broadcast_in_dim3A_6 = vector.broadcast %broadcast_in_dim3A_5 : f32 to vector<16xf32>
    %swap3A_7 = arith.constant 16 : index
    %swap3A_8 = tpu.vector_load %arg6[%swap3A_7] {strides = array<i32>} : memref<128xf32, #tpu.memory_space<vmem>>, vector<16xf32>,
    %swap3A_9 = vector.shape_cast %swap3A_8 : vector<16xf32> to vector<16xf32>
    %swap3A_10 = vector.shape_cast %broadcast_in_dim3A_6 : vector<16xf32> to vector<16xf32>
    tpu.vector_store %arg6[%swap3A_7], %swap3A_10 {strides = array<i32>} : memref<128xf32, #tpu.memory_space<vmem>>, vector<16xf32>,
    %broadcast_in_dim3A_11 = arith.constant 1.000000e+00 : f32
    %broadcast_in_dim3A_12 = vector.broadcast %broadcast_in_dim3A_11 : f32 to vector<16xf32>
    %swap3A_13 = arith.constant 32 : index
    %swap3A_14 = tpu.vector_load %arg6[%swap3A_13] {strides = array<i32>} : memref<128xf32, #tpu.memory_space<vmem>>, vector<16xf32>,
    %swap3A_15 = vector.shape_cast %swap3A_14 : vector<16xf32> to vector<16xf32>
    %swap3A_16 = vector.shape_cast %broadcast_in_dim3A_12 : vector<16xf32> to vector<16xf32>
    tpu.vector_store %arg6[%swap3A_13], %swap3A_16 {strides = array<i32>} : memref<128xf32, #tpu.memory_space<vmem>>, vector<16xf32>,
    %broadcast_in_dim3A_17 = arith.constant 1.000000e+00 : f32
    %broadcast_in_dim3A_18 = vector.broadcast %broadcast_in_dim3A_17 : f32 to vector<16xf32>
    %swap3A_19 = arith.constant 48 : index
    %swap3A_20 = tpu.vector_load %arg6[%swap3A_19] {strides = array<i32>} : memref<128xf32, #tpu.memory_space<vmem>>, vector<16xf32>,
    %swap3A_21 = vector.shape_cast %swap3A_20 : vector<16xf32> to vector<16xf32>
    %swap3A_22 = vector.shape_cast %broadcast_in_dim3A_18 : vector<16xf32> to vector<16xf32>
    tpu.vector_store %arg6[%swap3A_19], %swap3A_22 {strides = array<i32>} : memref<128xf32, #tpu.memory_space<vmem>>, vector<16xf32>,
    %broadcast_in_dim3A_23 = arith.constant 1.000000e+00 : f32
    %broadcast_in_dim3A_24 = vector.broadcast %broadcast_in_dim3A_23 : f32 to vector<16xf32>
    %swap3A_25 = arith.constant 64 : index
    %swap3A_26 = tpu.vector_load %arg6[%swap3A_25] {strides = array<i32>} : memref<128xf32, #tpu.memory_space<vmem>>, vector<16xf32>,
    %swap3A_27 = vector.shape_cast %swap3A_26 : vector<16xf32> to vector<16xf32>
    %swap3A_28 = vector.shape_cast %broadcast_in_dim3A_24 : vector<16xf32> to vector<16xf32>
    tpu.vector_store %arg6[%swap3A_25], %swap3A_28 {strides = array<i32>} : memref<128xf32, #tpu.memory_space<vmem>>, vector<16xf32>,
    %broadcast_in_dim3A_29 = arith.constant 1.000000e+00 : f32
    %broadcast_in_dim3A_30 = vector.broadcast %broadcast_in_dim3A_29 : f32 to vector<16xf32>
    %swap3A_31 = arith.constant 80 : index
    %swap3A_32 = tpu.vector_load %arg6[%swap3A_31] {strides = array<i32>} : memref<128xf32, #tpu.memory_space<vmem>>, vector<16xf32>,
    %swap3A_33 = vector.shape_cast %swap3A_32 : vector<16xf32> to vector<16xf32>
    %swap3A_34 = vector.shape_cast %broadcast_in_dim3A_30 : vector<16xf32> to vector<16xf32>
    tpu.vector_store %arg6[%swap3A_31], %swap3A_34 {strides = array<i32>} : memref<128xf32, #tpu.memory_space<vmem>>, vector<16xf32>,
    %broadcast_in_dim3A_35 = arith.constant 1.000000e+00 : f32
    %broadcast_in_dim3A_36 = vector.broadcast %broadcast_in_dim3A_35 : f32 to vector<16xf32>
    %swap3A_37 = arith.constant 96 : index
    %swap3A_38 = tpu.vector_load %arg6[%swap3A_37] {strides = array<i32>} : memref<128xf32, #tpu.memory_space<vmem>>, vector<16xf32>,
    %swap3A_39 = vector.shape_cast %swap3A_38 : vector<16xf32> to vector<16xf32>
    %swap3A_40 = vector.shape_cast %broadcast_in_dim3A_36 : vector<16xf32> to vector<16xf32>
    tpu.vector_store %arg6[%swap3A_37], %swap3A_40 {strides = array<i32>} : memref<128xf32, #tpu.memory_space<vmem>>, vector<16xf32>,
    %broadcast_in_dim3A_41 = arith.constant 1.000000e+00 : f32
    %broadcast_in_dim3A_42 = vector.broadcast %broadcast_in_dim3A_41 : f32 to vector<16xf32>
    %swap3A_43 = arith.constant 112 : index
    %swap3A_44 = tpu.vector_load %arg6[%swap3A_43] {strides = array<i32>} : memref<128xf32, #tpu.memory_space<vmem>>, vector<16xf32>,
    %swap3A_45 = vector.shape_cast %swap3A_44 : vector<16xf32> to vector<16xf32>
    %swap3A_46 = vector.shape_cast %broadcast_in_dim3A_42 : vector<16xf32> to vector<16xf32>
    tpu.vector_store %arg6[%swap3A_43], %swap3A_46 {strides = array<i32>} : memref<128xf32, #tpu.memory_space<vmem>>, vector<16xf32>,
    %barrier3A = arith.constant 0 : index
    tpu.barrier barrier_id(%barrier3A)
    %scan3A = arith.constant 0 : i32
    %scan3A_47 = arith.constant 0 : i32
    %scan3A_48 = arith.constant 160 : i32
    %scan3A_49 = arith.addi %scan3A_47, %scan3A_48 : i32
    %scan3A_50 = arith.constant 1 : i32
    scf.for %scan3A_65 = %scan3A_47 to %scan3A_49 step %scan3A_50  : i32 {
      "tpu.region"() ({
        %run_scoped3A = tpu.sem_alloc : memref<!tpu.dma_semaphore, #tpu.memory_space<semaphore_mem>>
        %dma_start3A = arith.constant 0 : i32
        %dma_start3A_66 = tpu.memref_slice %arg5[%scan3A_65, %dma_start3A] : memref<160x128xi32, #tpu.memory_space<vmem>> -> memref<1x128xi32, #tpu.memory_space<vmem>>
        %dma_start3A_67 = tpu.memref_squeeze %dma_start3A_66 : memref<1x128xi32, #tpu.memory_space<vmem>> -> memref<128xi32, #tpu.memory_space<vmem>>
        %dma_start3A_68 = arith.constant 0 : i32
        %dma_start3A_69 = tpu.memref_slice %arg8[%dma_start3A_68] : memref<10240xf32, #tpu.memory_space<vmem_shared>> -> memref<10240xf32, #tpu.memory_space<vmem_shared>>
        tpu.enqueue_indirect_dma source(%arg6 : memref<128xf32, #tpu.memory_space<vmem>>) target(%dma_start3A_69 : memref<10240xf32, #tpu.memory_space<vmem_shared>>) offsets(%dma_start3A_67 : memref<128xi32, #tpu.memory_space<vmem>>) semaphore(%run_scoped3A : memref<!tpu.dma_semaphore, #tpu.memory_space<semaphore_mem>>) {add = true}
        %dma_wait3A = arith.constant 0 : i32
        %dma_wait3A_70 = tpu.memref_slice %arg5[%scan3A_65, %dma_wait3A] : memref<160x128xi32, #tpu.memory_space<vmem>> -> memref<1x128xi32, #tpu.memory_space<vmem>>
        %dma_wait3A_71 = tpu.memref_squeeze %dma_wait3A_70 : memref<1x128xi32, #tpu.memory_space<vmem>> -> memref<128xi32, #tpu.memory_space<vmem>>
        %dma_wait3A_72 = arith.constant 0 : i32
        %dma_wait3A_73 = tpu.memref_slice %arg8[%dma_wait3A_72] : memref<10240xf32, #tpu.memory_space<vmem_shared>> -> memref<10240xf32, #tpu.memory_space<vmem_shared>>
        tpu.wait_indirect_dma semaphore(%run_scoped3A : memref<!tpu.dma_semaphore, #tpu.memory_space<semaphore_mem>>) src(%arg6 : memref<128xf32, #tpu.memory_space<vmem>>) dst(%dma_wait3A_73 : memref<10240xf32, #tpu.memory_space<vmem_shared>>)
        tpu.yield
      }) : () -> ()
    }
    %scan3A_51 = arith.constant 160 : i32
    %barrier3A_52 = arith.constant 0 : index
    tpu.barrier barrier_id(%barrier3A_52)
    %mul3A_53 = arith.constant 2 : i32
    %mul3A_54 = arith.muli %arg1, %mul3A_53 : i32
    %add3A = arith.addi %mul3A_54, %arg0 : i32
    %mul3A_55 = arith.constant 320 : i32
    %mul3A_56 = arith.muli %add3A, %mul3A_55 : i32
    "tpu.region"() ({
      %run_scoped3A = tpu.sem_alloc : memref<!tpu.dma_semaphore, #tpu.memory_space<semaphore_mem>>
      %dma_start3A = tpu.memref_slice %arg8[%mul3A_56] : memref<10240xf32, #tpu.memory_space<vmem_shared>> -> memref<320xf32, #tpu.memory_space<vmem_shared>>
      %dma_start3A_65 = tpu.memref_slice %arg8[%mul3A_56] : memref<10240xf32, #tpu.memory_space<vmem_shared>> -> memref<320xf32, #tpu.memory_space<vmem_shared>>
      tpu.enqueue_dma source(%dma_start3A_65 : memref<320xf32, #tpu.memory_space<vmem_shared>>) target(%arg7 : memref<320xf32, #tpu.memory_space<vmem>>) target_semaphore(%run_scoped3A : memref<!tpu.dma_semaphore, #tpu.memory_space<semaphore_mem>>)
      %dma_wait3A = tpu.memref_slice %arg8[%mul3A_56] : memref<10240xf32, #tpu.memory_space<vmem_shared>> -> memref<320xf32, #tpu.memory_space<vmem_shared>>
      %dma_wait3A_66 = tpu.memref_slice %arg8[%mul3A_56] : memref<10240xf32, #tpu.memory_space<vmem_shared>> -> memref<320xf32, #tpu.memory_space<vmem_shared>>
      tpu.wait_dma2 semaphore(%run_scoped3A : memref<!tpu.dma_semaphore, #tpu.memory_space<semaphore_mem>>) src(%dma_wait3A_66 : memref<320xf32, #tpu.memory_space<vmem_shared>>) dst(%arg7 : memref<320xf32, #tpu.memory_space<vmem>>)
      tpu.yield
    }) : () -> ()
    %scan3A_57 = arith.constant 0 : i32
    %scan3A_58 = arith.constant 0 : i32
    %scan3A_59 = arith.constant 20 : i32
    %scan3A_60 = arith.addi %scan3A_58, %scan3A_59 : i32
    %scan3A_61 = arith.constant 1 : i32
    scf.for %scan3A_65 = %scan3A_58 to %scan3A_60 step %scan3A_61  : i32 {
      %mul3A_66 = arith.constant 16 : i32
      %mul3A_67 = arith.muli %scan3A_65, %mul3A_66 : i32
      %get3A = arith.index_cast %mul3A_67 : i32 to index
      %get3A_68 = tpu.vector_load %arg7[%get3A] {strides = array<i32>} : memref<320xf32, #tpu.memory_space<vmem>>, vector<16xf32>,
      %get3A_69 = vector.shape_cast %get3A_68 : vector<16xf32> to vector<16xf32>
      %add3A_70 = arith.constant 1.000000e+00 : f32
      %add3A_71 = vector.broadcast %add3A_70 : f32 to vector<16xf32>
      %add3A_72 = arith.addf %get3A_69, %add3A_71 : vector<16xf32>
      %bitcast_convert_type3A = tpu.bitcast %add3A_72 : vector<16xf32> -> vector<16xi32>
      %broadcast_in_dim3A_73 = arith.constant 1597463007 : i32
      %broadcast_in_dim3A_74 = vector.broadcast %broadcast_in_dim3A_73 : i32 to vector<16xi32>
      %shift_right_arithmetic3A = arith.constant 1 : i32
      %shift_right_arithmetic3A_75 = vector.broadcast %shift_right_arithmetic3A : i32 to vector<16xi32>
      %shift_right_arithmetic3A_76 = arith.shrsi %bitcast_convert_type3A, %shift_right_arithmetic3A_75 : vector<16xi32>
      %sub3A = arith.subi %broadcast_in_dim3A_74, %shift_right_arithmetic3A_76 : vector<16xi32>
      %bitcast_convert_type3A_77 = tpu.bitcast %sub3A : vector<16xi32> -> vector<16xf32>
      %mul3A_78 = arith.constant 5.000000e-01 : f32
      %mul3A_79 = vector.broadcast %mul3A_78 : f32 to vector<16xf32>
      %mul3A_80 = arith.mulf %mul3A_79, %add3A_72 : vector<16xf32>
      %mul3A_81 = arith.mulf %mul3A_80, %bitcast_convert_type3A_77 : vector<16xf32>
      %mul3A_82 = arith.mulf %mul3A_81, %bitcast_convert_type3A_77 : vector<16xf32>
      %sub3A_83 = arith.constant 1.500000e+00 : f32
      %sub3A_84 = vector.broadcast %sub3A_83 : f32 to vector<16xf32>
      %sub3A_85 = arith.subf %sub3A_84, %mul3A_82 : vector<16xf32>
      %mul3A_86 = arith.mulf %bitcast_convert_type3A_77, %sub3A_85 : vector<16xf32>
      %mul3A_87 = arith.constant 5.000000e-01 : f32
      %mul3A_88 = vector.broadcast %mul3A_87 : f32 to vector<16xf32>
      %mul3A_89 = arith.mulf %mul3A_88, %add3A_72 : vector<16xf32>
      %mul3A_90 = arith.mulf %mul3A_89, %mul3A_86 : vector<16xf32>
      %mul3A_91 = arith.mulf %mul3A_90, %mul3A_86 : vector<16xf32>
      %sub3A_92 = arith.constant 1.500000e+00 : f32
      %sub3A_93 = vector.broadcast %sub3A_92 : f32 to vector<16xf32>
      %sub3A_94 = arith.subf %sub3A_93, %mul3A_91 : vector<16xf32>
      %mul3A_95 = arith.mulf %mul3A_86, %sub3A_94 : vector<16xf32>
      %mul3A_96 = arith.constant 5.000000e-01 : f32
      %mul3A_97 = vector.broadcast %mul3A_96 : f32 to vector<16xf32>
      %mul3A_98 = arith.mulf %mul3A_97, %add3A_72 : vector<16xf32>
      %mul3A_99 = arith.mulf %mul3A_98, %mul3A_95 : vector<16xf32>
      %mul3A_100 = arith.mulf %mul3A_99, %mul3A_95 : vector<16xf32>
      %sub3A_101 = arith.constant 1.500000e+00 : f32
      %sub3A_102 = vector.broadcast %sub3A_101 : f32 to vector<16xf32>
      %sub3A_103 = arith.subf %sub3A_102, %mul3A_100 : vector<16xf32>
      %mul3A_104 = arith.mulf %mul3A_95, %sub3A_103 : vector<16xf32>
      %mul3A_105 = arith.constant 16 : i32
      %mul3A_106 = arith.muli %scan3A_65, %mul3A_105 : i32
      %swap3A_107 = arith.index_cast %mul3A_106 : i32 to index
      %swap3A_108 = tpu.vector_load %arg7[%swap3A_107] {strides = array<i32>} : memref<320xf32, #tpu.memory_space<vmem>>, vector<16xf32>,
      %swap3A_109 = vector.shape_cast %swap3A_108 : vector<16xf32> to vector<16xf32>
      %swap3A_110 = vector.shape_cast %mul3A_104 : vector<16xf32> to vector<16xf32>
      tpu.vector_store %arg7[%swap3A_107], %swap3A_110 {strides = array<i32>} : memref<320xf32, #tpu.memory_space<vmem>>, vector<16xf32>,
    }
    %scan3A_62 = arith.constant 20 : i32
    %mul3A_63 = arith.constant 320 : i32
    %mul3A_64 = arith.muli %add3A, %mul3A_63 : i32
    "tpu.region"() ({
      %run_scoped3A = tpu.sem_alloc : memref<!tpu.dma_semaphore, #tpu.memory_space<semaphore_mem>>
      %dma_start3A = tpu.memref_slice %arg4[%mul3A_64] : memref<10240xf32, #tpu.memory_space<hbm>> -> memref<320xf32, #tpu.memory_space<hbm>>
      %dma_start3A_65 = tpu.memref_slice %arg4[%mul3A_64] : memref<10240xf32, #tpu.memory_space<hbm>> -> memref<320xf32, #tpu.memory_space<hbm>>
      tpu.enqueue_dma source(%arg7 : memref<320xf32, #tpu.memory_space<vmem>>) target(%dma_start3A_65 : memref<320xf32, #tpu.memory_space<hbm>>) target_semaphore(%run_scoped3A : memref<!tpu.dma_semaphore, #tpu.memory_space<semaphore_mem>>)
      %dma_wait3A = tpu.memref_slice %arg4[%mul3A_64] : memref<10240xf32, #tpu.memory_space<hbm>> -> memref<320xf32, #tpu.memory_space<hbm>>
      %dma_wait3A_66 = tpu.memref_slice %arg4[%mul3A_64] : memref<10240xf32, #tpu.memory_space<hbm>> -> memref<320xf32, #tpu.memory_space<hbm>>
      tpu.wait_dma2 semaphore(%run_scoped3A : memref<!tpu.dma_semaphore, #tpu.memory_space<semaphore_mem>>) src(%arg7 : memref<320xf32, #tpu.memory_space<vmem>>) dst(%dma_wait3A_66 : memref<320xf32, #tpu.memory_space<hbm>>)
      tpu.yield
    }) : () -> ()
    return
  }
}

#map = affine_map<(d0, d1) -> (0, 0)>
#map1 = affine_map<(d0, d1) -> (0, 0, 0, 0)>
#map2 = affine_map<(d0, d1) -> (0, 0, 0)>
module attributes {stable_mosaic.version = 14 : i64} {
  func.func @agg_kernel(%arg0: i32, %arg1: i32, %arg2: memref<10000x128xf32, #tpu.memory_space<hbm>>, %arg3: memref<2x16x80x128xi32, #tpu.memory_space<hbm>>, %arg4: memref<2x16x80x128xi32, #tpu.memory_space<hbm>>, %arg5: memref<640x128xf32, #tpu.memory_space<hbm>>, %arg6: memref<2x10240x128xf32, #tpu.memory_space<hbm>>, %arg7: memref<16x128xi32, #tpu.memory_space<vmem>>, %arg8: memref<16x128xi32, #tpu.memory_space<vmem>>, %arg9: memref<128x128xf32, #tpu.memory_space<vmem>>, %arg10: memref<10240x128xf32, #tpu.memory_space<vmem_shared>>) attributes {dimension_semantics = [#tpu.dimension_semantics<core_parallel>, #tpu.dimension_semantics<subcore_parallel>], iteration_bounds = array<i64: 2, 16>, scalar_prefetch = 0 : i64, scratch_operands = 4 : i64, tpu.core_type = #tpu.core_type<sc_vector_subcore>, window_params = [{transform_indices = #map}, {transform_indices = #map1}, {transform_indices = #map1}, {transform_indices = #map}, {transform_indices = #map2}]} {
    %mul3A = arith.constant 640 : i32
    %mul3A_0 = arith.muli %arg1, %mul3A : i32
    "tpu.region"() ({
      %run_scoped3A = tpu.sem_alloc : memref<!tpu.dma_semaphore, #tpu.memory_space<semaphore_mem>>
      %dma_start3A = arith.constant 0 : i32
      %dma_start3A_11 = tpu.memref_slice %arg10[%mul3A_0, %dma_start3A] : memref<10240x128xf32, #tpu.memory_space<vmem_shared>> -> memref<640x128xf32, #tpu.memory_space<vmem_shared>>
      tpu.enqueue_dma source(%arg5 : memref<640x128xf32, #tpu.memory_space<hbm>>) target(%dma_start3A_11 : memref<640x128xf32, #tpu.memory_space<vmem_shared>>) target_semaphore(%run_scoped3A : memref<!tpu.dma_semaphore, #tpu.memory_space<semaphore_mem>>)
      %dma_wait3A = arith.constant 0 : i32
      %dma_wait3A_12 = tpu.memref_slice %arg10[%mul3A_0, %dma_wait3A] : memref<10240x128xf32, #tpu.memory_space<vmem_shared>> -> memref<640x128xf32, #tpu.memory_space<vmem_shared>>
      tpu.wait_dma2 semaphore(%run_scoped3A : memref<!tpu.dma_semaphore, #tpu.memory_space<semaphore_mem>>) src(%arg5 : memref<640x128xf32, #tpu.memory_space<hbm>>) dst(%dma_wait3A_12 : memref<640x128xf32, #tpu.memory_space<vmem_shared>>)
      tpu.yield
    }) : () -> ()
    %barrier3A = arith.constant 0 : index
    tpu.barrier barrier_id(%barrier3A)
    %scan3A = arith.constant 0 : i32
    %scan3A_1 = arith.constant 0 : i32
    %scan3A_2 = arith.constant 5 : i32
    %scan3A_3 = arith.addi %scan3A_1, %scan3A_2 : i32
    %scan3A_4 = arith.constant 1 : i32
    scf.for %scan3A_11 = %scan3A_1 to %scan3A_3 step %scan3A_4  : i32 {
      %mul3A_12 = arith.constant 16 : i32
      %mul3A_13 = arith.muli %scan3A_11, %mul3A_12 : i32
      "tpu.region"() ({
        %run_scoped3A = tpu.sem_alloc : memref<!tpu.dma_semaphore, #tpu.memory_space<semaphore_mem>>
        %dma_start3A = arith.constant 0 : i32
        %dma_start3A_22 = tpu.memref_slice %arg3[%arg0, %arg1, %mul3A_13, %dma_start3A] : memref<2x16x80x128xi32, #tpu.memory_space<hbm>> -> memref<1x1x16x128xi32, #tpu.memory_space<hbm>>
        %dma_start3A_23 = tpu.memref_squeeze %dma_start3A_22 : memref<1x1x16x128xi32, #tpu.memory_space<hbm>> -> memref<16x128xi32, #tpu.memory_space<hbm>>
        %dma_start3A_24 = arith.constant 0 : i32
        %dma_start3A_25 = tpu.memref_slice %arg3[%arg0, %arg1, %mul3A_13, %dma_start3A_24] : memref<2x16x80x128xi32, #tpu.memory_space<hbm>> -> memref<1x1x16x128xi32, #tpu.memory_space<hbm>>
        %dma_start3A_26 = tpu.memref_squeeze %dma_start3A_25 : memref<1x1x16x128xi32, #tpu.memory_space<hbm>> -> memref<16x128xi32, #tpu.memory_space<hbm>>
        tpu.enqueue_dma source(%dma_start3A_26 : memref<16x128xi32, #tpu.memory_space<hbm>>) target(%arg7 : memref<16x128xi32, #tpu.memory_space<vmem>>) target_semaphore(%run_scoped3A : memref<!tpu.dma_semaphore, #tpu.memory_space<semaphore_mem>>)
        %dma_wait3A = arith.constant 0 : i32
        %dma_wait3A_27 = tpu.memref_slice %arg3[%arg0, %arg1, %mul3A_13, %dma_wait3A] : memref<2x16x80x128xi32, #tpu.memory_space<hbm>> -> memref<1x1x16x128xi32, #tpu.memory_space<hbm>>
        %dma_wait3A_28 = tpu.memref_squeeze %dma_wait3A_27 : memref<1x1x16x128xi32, #tpu.memory_space<hbm>> -> memref<16x128xi32, #tpu.memory_space<hbm>>
        %dma_wait3A_29 = arith.constant 0 : i32
        %dma_wait3A_30 = tpu.memref_slice %arg3[%arg0, %arg1, %mul3A_13, %dma_wait3A_29] : memref<2x16x80x128xi32, #tpu.memory_space<hbm>> -> memref<1x1x16x128xi32, #tpu.memory_space<hbm>>
        %dma_wait3A_31 = tpu.memref_squeeze %dma_wait3A_30 : memref<1x1x16x128xi32, #tpu.memory_space<hbm>> -> memref<16x128xi32, #tpu.memory_space<hbm>>
        tpu.wait_dma2 semaphore(%run_scoped3A : memref<!tpu.dma_semaphore, #tpu.memory_space<semaphore_mem>>) src(%dma_wait3A_31 : memref<16x128xi32, #tpu.memory_space<hbm>>) dst(%arg7 : memref<16x128xi32, #tpu.memory_space<vmem>>)
        tpu.yield
      }) : () -> ()
      %mul3A_14 = arith.constant 16 : i32
      %mul3A_15 = arith.muli %scan3A_11, %mul3A_14 : i32
      "tpu.region"() ({
        %run_scoped3A = tpu.sem_alloc : memref<!tpu.dma_semaphore, #tpu.memory_space<semaphore_mem>>
        %dma_start3A = arith.constant 0 : i32
        %dma_start3A_22 = tpu.memref_slice %arg4[%arg0, %arg1, %mul3A_15, %dma_start3A] : memref<2x16x80x128xi32, #tpu.memory_space<hbm>> -> memref<1x1x16x128xi32, #tpu.memory_space<hbm>>
        %dma_start3A_23 = tpu.memref_squeeze %dma_start3A_22 : memref<1x1x16x128xi32, #tpu.memory_space<hbm>> -> memref<16x128xi32, #tpu.memory_space<hbm>>
        %dma_start3A_24 = arith.constant 0 : i32
        %dma_start3A_25 = tpu.memref_slice %arg4[%arg0, %arg1, %mul3A_15, %dma_start3A_24] : memref<2x16x80x128xi32, #tpu.memory_space<hbm>> -> memref<1x1x16x128xi32, #tpu.memory_space<hbm>>
        %dma_start3A_26 = tpu.memref_squeeze %dma_start3A_25 : memref<1x1x16x128xi32, #tpu.memory_space<hbm>> -> memref<16x128xi32, #tpu.memory_space<hbm>>
        tpu.enqueue_dma source(%dma_start3A_26 : memref<16x128xi32, #tpu.memory_space<hbm>>) target(%arg8 : memref<16x128xi32, #tpu.memory_space<vmem>>) target_semaphore(%run_scoped3A : memref<!tpu.dma_semaphore, #tpu.memory_space<semaphore_mem>>)
        %dma_wait3A = arith.constant 0 : i32
        %dma_wait3A_27 = tpu.memref_slice %arg4[%arg0, %arg1, %mul3A_15, %dma_wait3A] : memref<2x16x80x128xi32, #tpu.memory_space<hbm>> -> memref<1x1x16x128xi32, #tpu.memory_space<hbm>>
        %dma_wait3A_28 = tpu.memref_squeeze %dma_wait3A_27 : memref<1x1x16x128xi32, #tpu.memory_space<hbm>> -> memref<16x128xi32, #tpu.memory_space<hbm>>
        %dma_wait3A_29 = arith.constant 0 : i32
        %dma_wait3A_30 = tpu.memref_slice %arg4[%arg0, %arg1, %mul3A_15, %dma_wait3A_29] : memref<2x16x80x128xi32, #tpu.memory_space<hbm>> -> memref<1x1x16x128xi32, #tpu.memory_space<hbm>>
        %dma_wait3A_31 = tpu.memref_squeeze %dma_wait3A_30 : memref<1x1x16x128xi32, #tpu.memory_space<hbm>> -> memref<16x128xi32, #tpu.memory_space<hbm>>
        tpu.wait_dma2 semaphore(%run_scoped3A : memref<!tpu.dma_semaphore, #tpu.memory_space<semaphore_mem>>) src(%dma_wait3A_31 : memref<16x128xi32, #tpu.memory_space<hbm>>) dst(%arg8 : memref<16x128xi32, #tpu.memory_space<vmem>>)
        tpu.yield
      }) : () -> ()
      %scan3A_16 = arith.constant 0 : i32
      %scan3A_17 = arith.constant 0 : i32
      %scan3A_18 = arith.constant 16 : i32
      %scan3A_19 = arith.addi %scan3A_17, %scan3A_18 : i32
      %scan3A_20 = arith.constant 1 : i32
      scf.for %scan3A_22 = %scan3A_17 to %scan3A_19 step %scan3A_20  : i32 {
        "tpu.region"() ({
          %run_scoped3A = tpu.sem_alloc : memref<!tpu.dma_semaphore, #tpu.memory_space<semaphore_mem>>
          %dma_start3A = arith.constant 0 : i32
          %dma_start3A_23 = tpu.memref_slice %arg7[%scan3A_22, %dma_start3A] : memref<16x128xi32, #tpu.memory_space<vmem>> -> memref<1x128xi32, #tpu.memory_space<vmem>>
          %dma_start3A_24 = tpu.memref_squeeze %dma_start3A_23 : memref<1x128xi32, #tpu.memory_space<vmem>> -> memref<128xi32, #tpu.memory_space<vmem>>
          %dma_start3A_25 = arith.constant 0 : i32
          %dma_start3A_26 = arith.constant 0 : i32
          %dma_start3A_27 = tpu.memref_slice %arg2[%dma_start3A_25, %dma_start3A_26] : memref<10000x128xf32, #tpu.memory_space<hbm>> -> memref<10000x128xf32, #tpu.memory_space<hbm>>
          tpu.enqueue_indirect_dma source(%dma_start3A_27 : memref<10000x128xf32, #tpu.memory_space<hbm>>) target(%arg9 : memref<128x128xf32, #tpu.memory_space<vmem>>) offsets(%dma_start3A_24 : memref<128xi32, #tpu.memory_space<vmem>>) semaphore(%run_scoped3A : memref<!tpu.dma_semaphore, #tpu.memory_space<semaphore_mem>>)
          %dma_wait3A = arith.constant 0 : i32
          %dma_wait3A_28 = tpu.memref_slice %arg7[%scan3A_22, %dma_wait3A] : memref<16x128xi32, #tpu.memory_space<vmem>> -> memref<1x128xi32, #tpu.memory_space<vmem>>
          %dma_wait3A_29 = tpu.memref_squeeze %dma_wait3A_28 : memref<1x128xi32, #tpu.memory_space<vmem>> -> memref<128xi32, #tpu.memory_space<vmem>>
          %dma_wait3A_30 = arith.constant 0 : i32
          %dma_wait3A_31 = arith.constant 0 : i32
          %dma_wait3A_32 = tpu.memref_slice %arg2[%dma_wait3A_30, %dma_wait3A_31] : memref<10000x128xf32, #tpu.memory_space<hbm>> -> memref<10000x128xf32, #tpu.memory_space<hbm>>
          tpu.wait_indirect_dma semaphore(%run_scoped3A : memref<!tpu.dma_semaphore, #tpu.memory_space<semaphore_mem>>) src(%dma_wait3A_32 : memref<10000x128xf32, #tpu.memory_space<hbm>>) dst(%arg9 : memref<128x128xf32, #tpu.memory_space<vmem>>)
          tpu.yield
        }) : () -> ()
        "tpu.region"() ({
          %run_scoped3A = tpu.sem_alloc : memref<!tpu.dma_semaphore, #tpu.memory_space<semaphore_mem>>
          %dma_start3A = arith.constant 0 : i32
          %dma_start3A_23 = tpu.memref_slice %arg8[%scan3A_22, %dma_start3A] : memref<16x128xi32, #tpu.memory_space<vmem>> -> memref<1x128xi32, #tpu.memory_space<vmem>>
          %dma_start3A_24 = tpu.memref_squeeze %dma_start3A_23 : memref<1x128xi32, #tpu.memory_space<vmem>> -> memref<128xi32, #tpu.memory_space<vmem>>
          %dma_start3A_25 = arith.constant 0 : i32
          %dma_start3A_26 = arith.constant 0 : i32
          %dma_start3A_27 = tpu.memref_slice %arg10[%dma_start3A_25, %dma_start3A_26] : memref<10240x128xf32, #tpu.memory_space<vmem_shared>> -> memref<10240x128xf32, #tpu.memory_space<vmem_shared>>
          tpu.enqueue_indirect_dma source(%arg9 : memref<128x128xf32, #tpu.memory_space<vmem>>) target(%dma_start3A_27 : memref<10240x128xf32, #tpu.memory_space<vmem_shared>>) offsets(%dma_start3A_24 : memref<128xi32, #tpu.memory_space<vmem>>) semaphore(%run_scoped3A : memref<!tpu.dma_semaphore, #tpu.memory_space<semaphore_mem>>) {add = true}
          %dma_wait3A = arith.constant 0 : i32
          %dma_wait3A_28 = tpu.memref_slice %arg8[%scan3A_22, %dma_wait3A] : memref<16x128xi32, #tpu.memory_space<vmem>> -> memref<1x128xi32, #tpu.memory_space<vmem>>
          %dma_wait3A_29 = tpu.memref_squeeze %dma_wait3A_28 : memref<1x128xi32, #tpu.memory_space<vmem>> -> memref<128xi32, #tpu.memory_space<vmem>>
          %dma_wait3A_30 = arith.constant 0 : i32
          %dma_wait3A_31 = arith.constant 0 : i32
          %dma_wait3A_32 = tpu.memref_slice %arg10[%dma_wait3A_30, %dma_wait3A_31] : memref<10240x128xf32, #tpu.memory_space<vmem_shared>> -> memref<10240x128xf32, #tpu.memory_space<vmem_shared>>
          tpu.wait_indirect_dma semaphore(%run_scoped3A : memref<!tpu.dma_semaphore, #tpu.memory_space<semaphore_mem>>) src(%arg9 : memref<128x128xf32, #tpu.memory_space<vmem>>) dst(%dma_wait3A_32 : memref<10240x128xf32, #tpu.memory_space<vmem_shared>>)
          tpu.yield
        }) : () -> ()
      }
      %scan3A_21 = arith.constant 16 : i32
    }
    %scan3A_5 = arith.constant 5 : i32
    %barrier3A_6 = arith.constant 0 : index
    tpu.barrier barrier_id(%barrier3A_6)
    %mul3A_7 = arith.constant 640 : i32
    %mul3A_8 = arith.muli %arg1, %mul3A_7 : i32
    %mul3A_9 = arith.constant 640 : i32
    %mul3A_10 = arith.muli %arg1, %mul3A_9 : i32
    "tpu.region"() ({
      %run_scoped3A = tpu.sem_alloc : memref<!tpu.dma_semaphore, #tpu.memory_space<semaphore_mem>>
      %dma_start3A = arith.constant 0 : i32
      %dma_start3A_11 = tpu.memref_slice %arg6[%arg0, %mul3A_10, %dma_start3A] : memref<2x10240x128xf32, #tpu.memory_space<hbm>> -> memref<1x640x128xf32, #tpu.memory_space<hbm>>
      %dma_start3A_12 = tpu.memref_squeeze %dma_start3A_11 : memref<1x640x128xf32, #tpu.memory_space<hbm>> -> memref<640x128xf32, #tpu.memory_space<hbm>>
      %dma_start3A_13 = arith.constant 0 : i32
      %dma_start3A_14 = tpu.memref_slice %arg10[%mul3A_8, %dma_start3A_13] : memref<10240x128xf32, #tpu.memory_space<vmem_shared>> -> memref<640x128xf32, #tpu.memory_space<vmem_shared>>
      tpu.enqueue_dma source(%dma_start3A_14 : memref<640x128xf32, #tpu.memory_space<vmem_shared>>) target(%dma_start3A_12 : memref<640x128xf32, #tpu.memory_space<hbm>>) target_semaphore(%run_scoped3A : memref<!tpu.dma_semaphore, #tpu.memory_space<semaphore_mem>>)
      %dma_wait3A = arith.constant 0 : i32
      %dma_wait3A_15 = tpu.memref_slice %arg6[%arg0, %mul3A_10, %dma_wait3A] : memref<2x10240x128xf32, #tpu.memory_space<hbm>> -> memref<1x640x128xf32, #tpu.memory_space<hbm>>
      %dma_wait3A_16 = tpu.memref_squeeze %dma_wait3A_15 : memref<1x640x128xf32, #tpu.memory_space<hbm>> -> memref<640x128xf32, #tpu.memory_space<hbm>>
      %dma_wait3A_17 = arith.constant 0 : i32
      %dma_wait3A_18 = tpu.memref_slice %arg10[%mul3A_8, %dma_wait3A_17] : memref<10240x128xf32, #tpu.memory_space<vmem_shared>> -> memref<640x128xf32, #tpu.memory_space<vmem_shared>>
      tpu.wait_dma2 semaphore(%run_scoped3A : memref<!tpu.dma_semaphore, #tpu.memory_space<semaphore_mem>>) src(%dma_wait3A_18 : memref<640x128xf32, #tpu.memory_space<vmem_shared>>) dst(%dma_wait3A_16 : memref<640x128xf32, #tpu.memory_space<hbm>>)
      tpu.yield
    }) : () -> ()
    return
  }
}

module attributes {stable_mosaic.version = 14 : i64} {
  func.func @body(%arg0: i32, %arg1: i32, %arg2: memref<400x128xf32, #tpu.memory_space<vmem>>, %arg3: memref<128x128xf32, #tpu.memory_space<vmem>>, %arg4: memref<400x1xf32, #tpu.memory_space<vmem>>, %arg5: memref<400x128xf32, #tpu.memory_space<vmem>>) attributes {dimension_semantics = [#tpu.dimension_semantics<arbitrary>, #tpu.dimension_semantics<arbitrary>], iteration_bounds = array<i64: 2, 25>, scalar_prefetch = 0 : i64, scratch_operands = 0 : i64, tpu.core_type = #tpu.core_type<tc>, window_params = [{transform_indices = @transform_0, window_bounds = array<i64: 400, 128>}, {transform_indices = @transform_1, window_bounds = array<i64: 128, 128>}, {transform_indices = @transform_2, window_bounds = array<i64: 400, 1>}, {transform_indices = @transform_3, window_bounds = array<i64: 400, 128>}]} {
    %get3A = arith.constant 0 : index
    %get3A_0 = arith.constant 0 : index
    %get3A_1 = vector.load %arg2[%get3A, %get3A_0] : memref<400x128xf32, #tpu.memory_space<vmem>>, vector<400x128xf32>
    %get3A_2 = arith.constant 0 : index
    %get3A_3 = arith.constant 0 : index
    %get3A_4 = vector.load %arg3[%get3A_2, %get3A_3] : memref<128x128xf32, #tpu.memory_space<vmem>>, vector<128x128xf32>
    %dot_general3A = arith.constant dense<0.000000e+00> : vector<400x128xf32>
    %dot_general3A_5 = tpu.matmul %get3A_1, %get3A_4, %dot_general3A {dimension_numbers = #tpu.dot_dimension_numbers<[1], [0], [0], [1], [0, 0, 1, 1], [], []>, precision = #tpu.contract_precision<fp32>, transpose_lhs_hint = false} : vector<400x128xf32>, vector<128x128xf32>, vector<400x128xf32> -> vector<400x128xf32>
    %get3A_6 = arith.constant 0 : index
    %get3A_7 = arith.constant 0 : index
    %get3A_8 = vector.load %arg4[%get3A_6, %get3A_7] : memref<400x1xf32, #tpu.memory_space<vmem>>, vector<400x1xf32>
    %mul3A = vector.broadcast %get3A_8 : vector<400x1xf32> to vector<400x128xf32>
    %mul3A_9 = arith.mulf %dot_general3A_5, %mul3A : vector<400x128xf32>
    %swap3A = arith.constant 0 : index
    %swap3A_10 = arith.constant 0 : index
    %swap3A_11 = vector.load %arg5[%swap3A, %swap3A_10] : memref<400x128xf32, #tpu.memory_space<vmem>>, vector<400x128xf32>
    tpu.vector_store %arg5[%swap3A, %swap3A_10], %mul3A_9 {strides = array<i32>} : memref<400x128xf32, #tpu.memory_space<vmem>>, vector<400x128xf32>,
    return
  }
  func.func @transform_0(%arg0: i32, %arg1: i32) -> (i32, i32) {
    %c0_i32 = arith.constant 0 : i32
    %c0_i32_0 = arith.constant 0 : i32
    return %arg1, %c0_i32 : i32, i32
  }
  func.func @transform_1(%arg0: i32, %arg1: i32) -> (i32, i32) {
    %c0_i32 = arith.constant 0 : i32
    %c0_i32_0 = arith.constant 0 : i32
    return %c0_i32, %arg0 : i32, i32
  }
  func.func @transform_2(%arg0: i32, %arg1: i32) -> (i32, i32) {
    %c0_i32 = arith.constant 0 : i32
    %c0_i32_0 = arith.constant 0 : i32
    return %arg1, %c0_i32 : i32, i32
  }
  func.func @transform_3(%arg0: i32, %arg1: i32) -> (i32, i32) {
    %mul3A = arith.constant 25 : i32
    %mul3A_0 = arith.muli %arg0, %mul3A : i32
    %add3A = arith.addi %mul3A_0, %arg1 : i32
    %c0_i32 = arith.constant 0 : i32
    %c0_i32_1 = arith.constant 0 : i32
    return %add3A, %c0_i32 : i32, i32
  }
}

module attributes {stable_mosaic.version = 14 : i64} {
  func.func @body(%arg0: i32, %arg1: memref<1x400x128xf32, #tpu.memory_space<vmem>>, %arg2: memref<1x400x128xf32, #tpu.memory_space<vmem>>, %arg3: memref<400x128xf32, #tpu.memory_space<vmem>>, %arg4: memref<400x128xf32, #tpu.memory_space<vmem>>, %arg5: memref<400x1xf32, #tpu.memory_space<vmem>>, %arg6: memref<1x256xf32, #tpu.memory_space<vmem>>, %arg7: memref<256x128xf32, #tpu.memory_space<vmem>>, %arg8: memref<400x128xf32, #tpu.memory_space<vmem>>) attributes {dimension_semantics = [#tpu.dimension_semantics<arbitrary>], iteration_bounds = array<i64: 25>, scalar_prefetch = 0 : i64, scratch_operands = 0 : i64, tpu.core_type = #tpu.core_type<tc>, window_params = [{transform_indices = @transform_0, window_bounds = array<i64: 1, 400, 128>}, {transform_indices = @transform_1, window_bounds = array<i64: 1, 400, 128>}, {transform_indices = @transform_2, window_bounds = array<i64: 400, 128>}, {transform_indices = @transform_3, window_bounds = array<i64: 400, 128>}, {transform_indices = @transform_4, window_bounds = array<i64: 400, 1>}, {pipeline_mode = #tpu.pipeline_mode<synchronous>, transform_indices = @transform_5, window_bounds = array<i64: 1, 256>}, {pipeline_mode = #tpu.pipeline_mode<synchronous>, transform_indices = @transform_6, window_bounds = array<i64: 256, 128>}, {transform_indices = @transform_7, window_bounds = array<i64: 400, 128>}]} {
    %get3A = arith.constant 0 : index
    %get3A_0 = arith.constant 0 : index
    %get3A_1 = arith.constant 0 : index
    %get3A_2 = vector.load %arg1[%get3A, %get3A_0, %get3A_1] : memref<1x400x128xf32, #tpu.memory_space<vmem>>, vector<1x400x128xf32>
    %get3A_3 = vector.shape_cast %get3A_2 : vector<1x400x128xf32> to vector<400x128xf32>
    %get3A_4 = arith.constant 0 : index
    %get3A_5 = arith.constant 0 : index
    %get3A_6 = arith.constant 0 : index
    %get3A_7 = vector.load %arg2[%get3A_4, %get3A_5, %get3A_6] : memref<1x400x128xf32, #tpu.memory_space<vmem>>, vector<1x400x128xf32>
    %get3A_8 = vector.shape_cast %get3A_7 : vector<1x400x128xf32> to vector<400x128xf32>
    %concatenate3A = tpu.concatenate %get3A_3, %get3A_8 in 1 : vector<400x128xf32>, vector<400x128xf32> -> vector<400x256xf32>
    %get3A_9 = arith.constant 0 : index
    %get3A_10 = arith.constant 0 : index
    %get3A_11 = vector.load %arg3[%get3A_9, %get3A_10] : memref<400x128xf32, #tpu.memory_space<vmem>>, vector<400x128xf32>
    %get3A_12 = arith.constant 0 : index
    %get3A_13 = arith.constant 0 : index
    %get3A_14 = vector.load %arg4[%get3A_12, %get3A_13] : memref<400x128xf32, #tpu.memory_space<vmem>>, vector<400x128xf32>
    %concatenate3A_15 = tpu.concatenate %get3A_11, %get3A_14 in 1 : vector<400x128xf32>, vector<400x128xf32> -> vector<400x256xf32>
    %add3A = arith.addf %concatenate3A, %concatenate3A_15 : vector<400x256xf32>
    %get3A_16 = arith.constant 0 : index
    %get3A_17 = arith.constant 0 : index
    %get3A_18 = vector.load %arg5[%get3A_16, %get3A_17] : memref<400x1xf32, #tpu.memory_space<vmem>>, vector<400x1xf32>
    %mul3A = vector.broadcast %get3A_18 : vector<400x1xf32> to vector<400x256xf32>
    %mul3A_19 = arith.mulf %add3A, %mul3A : vector<400x256xf32>
    %get3A_20 = arith.constant 0 : index
    %get3A_21 = arith.constant 0 : index
    %get3A_22 = vector.load %arg6[%get3A_20, %get3A_21] : memref<1x256xf32, #tpu.memory_space<vmem>>, vector<1x256xf32>
    %add3A_23 = vector.broadcast %get3A_22 : vector<1x256xf32> to vector<400x256xf32>
    %add3A_24 = arith.addf %mul3A_19, %add3A_23 : vector<400x256xf32>
    %max3A = arith.constant 0.000000e+00 : f32
    %max3A_25 = vector.broadcast %max3A : f32 to vector<400x256xf32>
    %max3A_26 = arith.maximumf %add3A_24, %max3A_25 : vector<400x256xf32>
    %get3A_27 = arith.constant 0 : index
    %get3A_28 = arith.constant 0 : index
    %get3A_29 = vector.load %arg7[%get3A_27, %get3A_28] : memref<256x128xf32, #tpu.memory_space<vmem>>, vector<256x128xf32>
    %dot_general3A = arith.constant dense<0.000000e+00> : vector<400x128xf32>
    %dot_general3A_30 = tpu.matmul %max3A_26, %get3A_29, %dot_general3A {dimension_numbers = #tpu.dot_dimension_numbers<[1], [0], [0], [1], [0, 0, 1, 1], [], []>, precision = #tpu.contract_precision<fp32>, transpose_lhs_hint = false} : vector<400x256xf32>, vector<256x128xf32>, vector<400x128xf32> -> vector<400x128xf32>
    %get3A_31 = arith.constant 0 : index
    %get3A_32 = arith.constant 0 : index
    %get3A_33 = vector.load %arg5[%get3A_31, %get3A_32] : memref<400x1xf32, #tpu.memory_space<vmem>>, vector<400x1xf32>
    %mul3A_34 = vector.broadcast %get3A_33 : vector<400x1xf32> to vector<400x128xf32>
    %mul3A_35 = arith.mulf %dot_general3A_30, %mul3A_34 : vector<400x128xf32>
    %swap3A = arith.constant 0 : index
    %swap3A_36 = arith.constant 0 : index
    %swap3A_37 = vector.load %arg8[%swap3A, %swap3A_36] : memref<400x128xf32, #tpu.memory_space<vmem>>, vector<400x128xf32>
    tpu.vector_store %arg8[%swap3A, %swap3A_36], %mul3A_35 {strides = array<i32>} : memref<400x128xf32, #tpu.memory_space<vmem>>, vector<400x128xf32>,
    return
  }
  func.func @transform_0(%arg0: i32) -> (i32, i32, i32) {
    %c0_i32 = arith.constant 0 : i32
    %c0_i32_0 = arith.constant 0 : i32
    %c0_i32_1 = arith.constant 0 : i32
    return %c0_i32, %arg0, %c0_i32_0 : i32, i32, i32
  }
  func.func @transform_1(%arg0: i32) -> (i32, i32, i32) {
    %c1_i32 = arith.constant 1 : i32
    %c0_i32 = arith.constant 0 : i32
    %c0_i32_0 = arith.constant 0 : i32
    return %c1_i32, %arg0, %c0_i32 : i32, i32, i32
  }
  func.func @transform_2(%arg0: i32) -> (i32, i32) {
    %c0_i32 = arith.constant 0 : i32
    %c0_i32_0 = arith.constant 0 : i32
    return %arg0, %c0_i32 : i32, i32
  }
  func.func @transform_3(%arg0: i32) -> (i32, i32) {
    %add3A = arith.constant 25 : i32
    %add3A_0 = arith.addi %add3A, %arg0 : i32
    %c0_i32 = arith.constant 0 : i32
    %c0_i32_1 = arith.constant 0 : i32
    return %add3A_0, %c0_i32 : i32, i32
  }
  func.func @transform_4(%arg0: i32) -> (i32, i32) {
    %c0_i32 = arith.constant 0 : i32
    %c0_i32_0 = arith.constant 0 : i32
    return %arg0, %c0_i32 : i32, i32
  }
  func.func @transform_5(%arg0: i32) -> (i32, i32) {
    %c0_i32 = arith.constant 0 : i32
    %c0_i32_0 = arith.constant 0 : i32
    %c0_i32_1 = arith.constant 0 : i32
    return %c0_i32, %c0_i32_0 : i32, i32
  }
  func.func @transform_6(%arg0: i32) -> (i32, i32) {
    %c0_i32 = arith.constant 0 : i32
    %c0_i32_0 = arith.constant 0 : i32
    %c0_i32_1 = arith.constant 0 : i32
    return %c0_i32, %c0_i32_0 : i32, i32
  }
  func.func @transform_7(%arg0: i32) -> (i32, i32) {
    %c0_i32 = arith.constant 0 : i32
    %c0_i32_0 = arith.constant 0 : i32
    return %arg0, %c0_i32 : i32, i32
  }
}

module attributes {stable_mosaic.version = 14 : i64} {
  func.func @body(%arg0: i32, %arg1: memref<1x400x128xf32, #tpu.memory_space<vmem>>, %arg2: memref<1x400x128xf32, #tpu.memory_space<vmem>>, %arg3: memref<400x128xf32, #tpu.memory_space<vmem>>, %arg4: memref<400x1xf32, #tpu.memory_space<vmem>>, %arg5: memref<1x128xf32, #tpu.memory_space<vmem>>, %arg6: memref<400x128xf32, #tpu.memory_space<vmem>>) attributes {dimension_semantics = [#tpu.dimension_semantics<arbitrary>], iteration_bounds = array<i64: 25>, scalar_prefetch = 0 : i64, scratch_operands = 0 : i64, tpu.core_type = #tpu.core_type<tc>, window_params = [{transform_indices = @transform_0, window_bounds = array<i64: 1, 400, 128>}, {transform_indices = @transform_1, window_bounds = array<i64: 1, 400, 128>}, {transform_indices = @transform_2, window_bounds = array<i64: 400, 128>}, {transform_indices = @transform_3, window_bounds = array<i64: 400, 1>}, {pipeline_mode = #tpu.pipeline_mode<synchronous>, transform_indices = @transform_4, window_bounds = array<i64: 1, 128>}, {transform_indices = @transform_5, window_bounds = array<i64: 400, 128>}]} {
    %get3A = arith.constant 0 : index
    %get3A_0 = arith.constant 0 : index
    %get3A_1 = arith.constant 0 : index
    %get3A_2 = vector.load %arg1[%get3A, %get3A_0, %get3A_1] : memref<1x400x128xf32, #tpu.memory_space<vmem>>, vector<1x400x128xf32>
    %get3A_3 = vector.shape_cast %get3A_2 : vector<1x400x128xf32> to vector<400x128xf32>
    %get3A_4 = arith.constant 0 : index
    %get3A_5 = arith.constant 0 : index
    %get3A_6 = arith.constant 0 : index
    %get3A_7 = vector.load %arg2[%get3A_4, %get3A_5, %get3A_6] : memref<1x400x128xf32, #tpu.memory_space<vmem>>, vector<1x400x128xf32>
    %get3A_8 = vector.shape_cast %get3A_7 : vector<1x400x128xf32> to vector<400x128xf32>
    %add3A = arith.addf %get3A_3, %get3A_8 : vector<400x128xf32>
    %get3A_9 = arith.constant 0 : index
    %get3A_10 = arith.constant 0 : index
    %get3A_11 = vector.load %arg3[%get3A_9, %get3A_10] : memref<400x128xf32, #tpu.memory_space<vmem>>, vector<400x128xf32>
    %add3A_12 = arith.addf %add3A, %get3A_11 : vector<400x128xf32>
    %get3A_13 = arith.constant 0 : index
    %get3A_14 = arith.constant 0 : index
    %get3A_15 = vector.load %arg4[%get3A_13, %get3A_14] : memref<400x1xf32, #tpu.memory_space<vmem>>, vector<400x1xf32>
    %mul3A = vector.broadcast %get3A_15 : vector<400x1xf32> to vector<400x128xf32>
    %mul3A_16 = arith.mulf %add3A_12, %mul3A : vector<400x128xf32>
    %get3A_17 = arith.constant 0 : index
    %get3A_18 = arith.constant 0 : index
    %get3A_19 = vector.load %arg5[%get3A_17, %get3A_18] : memref<1x128xf32, #tpu.memory_space<vmem>>, vector<1x128xf32>
    %add3A_20 = vector.broadcast %get3A_19 : vector<1x128xf32> to vector<400x128xf32>
    %add3A_21 = arith.addf %mul3A_16, %add3A_20 : vector<400x128xf32>
    %max3A = arith.constant 0.000000e+00 : f32
    %max3A_22 = vector.broadcast %max3A : f32 to vector<400x128xf32>
    %max3A_23 = arith.maximumf %add3A_21, %max3A_22 : vector<400x128xf32>
    %swap3A = arith.constant 0 : index
    %swap3A_24 = arith.constant 0 : index
    %swap3A_25 = vector.load %arg6[%swap3A, %swap3A_24] : memref<400x128xf32, #tpu.memory_space<vmem>>, vector<400x128xf32>
    tpu.vector_store %arg6[%swap3A, %swap3A_24], %max3A_23 {strides = array<i32>} : memref<400x128xf32, #tpu.memory_space<vmem>>, vector<400x128xf32>,
    return
  }
  func.func @transform_0(%arg0: i32) -> (i32, i32, i32) {
    %c0_i32 = arith.constant 0 : i32
    %c0_i32_0 = arith.constant 0 : i32
    %c0_i32_1 = arith.constant 0 : i32
    return %c0_i32, %arg0, %c0_i32_0 : i32, i32, i32
  }
  func.func @transform_1(%arg0: i32) -> (i32, i32, i32) {
    %c1_i32 = arith.constant 1 : i32
    %c0_i32 = arith.constant 0 : i32
    %c0_i32_0 = arith.constant 0 : i32
    return %c1_i32, %arg0, %c0_i32 : i32, i32, i32
  }
  func.func @transform_2(%arg0: i32) -> (i32, i32) {
    %c0_i32 = arith.constant 0 : i32
    %c0_i32_0 = arith.constant 0 : i32
    return %arg0, %c0_i32 : i32, i32
  }
  func.func @transform_3(%arg0: i32) -> (i32, i32) {
    %c0_i32 = arith.constant 0 : i32
    %c0_i32_0 = arith.constant 0 : i32
    return %arg0, %c0_i32 : i32, i32
  }
  func.func @transform_4(%arg0: i32) -> (i32, i32) {
    %c0_i32 = arith.constant 0 : i32
    %c0_i32_0 = arith.constant 0 : i32
    %c0_i32_1 = arith.constant 0 : i32
    return %c0_i32, %c0_i32_0 : i32, i32
  }
  func.func @transform_5(%arg0: i32) -> (i32, i32) {
    %c0_i32 = arith.constant 0 : i32
    %c0_i32_0 = arith.constant 0 : i32
    return %arg0, %c0_i32 : i32, i32
  }
}

</mosaic_0001>

<sc_bundles>
// kernel: kernel.11.cloned.1.call-start
scs
__scs_entry_jumppad:
0x0: {  	(pc) =	sbr.rel $0x88, $3  }
0x1: {  	(tag) =	ssettag $0x0;
	lr =	simm.s32 $0x1  }
0x2: {  	[smem:$0x3F9B] =	sst lr;
	_ =	strace $0xD0000000  }
0x3: {  	_ = 	snop  }
0x4: {  	_ = 	snop  }
0x5: {  	_ = 	snop  }
0x6: {  	_ = 	snop  }
0x7: {  	_ = 	snop  }
__scs_overlays_trampoline_lowered:
0x8: {  	[smem:$0x3FAA] =	sst s0  }
0x9: {  	[smem:$0x3FAB] =	sst s1  }
0xa: {  	[smem:$0x3FAC] =	sst s2  }
0xb: {  	[smem:$0x3FAD] =	sst s3  }
0xc: {  	[smem:$0x3FAE] =	sst s4  }
0xd: {  	[smem:$0x3FAF] =	sst s5  }
0xe: {  	[smem:$0x3FB0] =	sst s6  }
0xf: {  	[smem:$0x3FB1] =	sst s7  }
0x10: {  	[smem:$0x3FB2] =	sst s8  }
0x11: {  	[smem:$0x3FB3] =	sst s9;
	s0 =	simm.s32 @!p0 $0x0  }
0x12: {  	s1 =	sld [smem:$0x3F99];
	s0 =	simm.s32 @p0 $0x1  }
0x13: {  	[smem:$0x3FB4] =	sst s0;
	s0 =	simm.s32 @!p1 $0x0  }
0x14: {  	s2 =	sld [smem:$0x3F98];
	s0 =	simm.s32 @p1 $0x1  }
0x15: {  	[smem:$0x3FB5] =	sst s0;
	s0 =	simm.s32 @!p2 $0x0  }
0x16: {  	s3 =	sld [smem:$0x3FDB];
	s0 =	simm.s32 @p2 $0x1  }
0x17: {  	s4 =	simm.s32 $0x1BF5;
	[smem:$0x3FB7] =	sst s0  }
0x18: {  	s0 =	sld [smem:$0x3F9A];
	_ =	swait.ge [sflag:s4], $0x0  }
0x19: {  	s7 =	sld [smem:$0x3F9B]  }
0x1a: {  	s8 =	sadd.s32 $0xFFFFE003, lr  }
0x1b: {  	s9 =	sadd.s32 $0xFFFFFEF7, lr;
	s5 =	simm.s32 $0xFFFFFFFF;
	p2 =	slt.u32 s8, $0xFFFFF086  }
0x1c: {  	p1 =	slt.u32 s9, $0xF7A;
	s5 =	simm.s32 @!p2 $0x0  }
0x1d: {  	s5 =	simm.s32 @p1 $0x1;
	p0 =	seq.s32 s7, s2  }
0x1e: {  	s7 =	smul.u32 @!p0 $0xF7A, s2;
	p2 =	seq.s32 @!p0 s5, $0x0  }
0x1f: {  	s9 =	smul.u32 $0xF7A, s1;
	s8 =	simm.s32 @!p0 $0x1BF5;
	p2 =	por !p2, p0  }
0x20: {  	[sflag:s8] =	ssyncset.s32 @!p0 $0xFFFFF086;
	s6 =	sadd.s32 @!p0 s3, s7;
	s7 =	simm.s32 @!p0 $0x108  }
0x21: {  	s3 =	sadd.s32 s3, s9;
	s6 =	sadd.s32 @!p0 $0x88, s6;
	s7 =	simm.s32 @p2 $0x1082  }
0x22: {  	[simem:s7], [sflag:s8] =	dma.local @!p0 [hbm:s6], $0xF7A  }
0x23: {  	s9 =	sor.u32 $0xD0000000, s2;
	s6 =	simm.s32 $0x108;
	_ =	swait.ge @!p0 [sflag:s8], $0x0  }
0x24: {  	s3 =	sadd.s32 $0x88, s3;
	s6 =	simm.s32 @!p1 $0x1082;
	[sflag:s4] =	ssyncset.s32 $0xFFFFF086  }
0x25: {  	[simem:s6], [sflag:s4] =	dma.local [hbm:s3], $0xF7A  }
0x26: {  	[smem:$0x3F9B] =	sst s1;
	(tag) =	ssettag s2;
	_ =	strace s9  }
0x27: {  	s1 =	sld [smem:$0x3FAB]  }
0x28: {  	s2 =	sld [smem:$0x3FAC]  }
0x29: {  	s4 =	sld [smem:$0x3FAE]  }
0x2a: {  	p0 =	seq.s32 s5, $0x0;
	s5 =	sld [smem:$0x3FAF]  }
0x2b: {  	s6 =	sld [smem:$0x3FB0]  }
0x2c: {  	s7 =	sld [smem:$0x3FB1]  }
0x2d: {  	s3 =	simm.s32 $0x108;
	s8 =	sld [smem:$0x3FB2]  }
0x2e: {  	s3 =	simm.s32 @!p0 $0x1082;
	s9 =	sld [smem:$0x3FB3]  }
0x2f: {  	lr =	sadd.s32 s0, s3;
	s0 =	sld [smem:$0x3FAA]  }
0x30: {  	s3 =	sld [smem:$0x3FAD]  }
0x31: {  	[smem:$0x3FB6] =	sst s10  }
0x32: {  	s10 =	sld [smem:$0x3FB4];
	_ =	sdelay $0x3  }
0x33: {  	p0 =	seq.s32 s10, $0x1;
	s10 =	sld [smem:$0x3FB6];
	_ =	sdelay $0x3  }
0x34: {  	[smem:$0x3FB6] =	sst s10  }
0x35: {  	s10 =	sld [smem:$0x3FB5];
	_ =	sdelay $0x3  }
0x36: {  	p1 =	seq.s32 s10, $0x1;
	s10 =	sld [smem:$0x3FB6];
	_ =	sdelay $0x3  }
0x37: {  	[smem:$0x3FB6] =	sst s10  }
0x38: {  	s10 =	sld [smem:$0x3FB7]  }
0x39: {  	_ = 	snop;
	(pc) =	sbr.ind lr, $3  }
0x3a: {  	_ = 	snop  }
0x3b: {  	_ = 	snop  }
0x3c: {  	p2 =	seq.s32 s10, $0x1;
	s10 =	sld [smem:$0x3FB6]  }
0x3d: {  	_ =	shalt  }
0x3e: {  	_ =	shalt  }
0x3f: {  	_ =	shalt  }
0x40: {  	_ =	shalt  }
0x41: {  	_ =	shalt  }
0x42: {  	_ =	shalt  }
0x43: {  	_ =	shalt  }
0x44: {  	_ =	shalt  }
0x45: {  	_ =	shalt  }
0x46: {  	_ =	shalt  }
0x47: {  	_ =	shalt  }
0x48: {  	_ =	shalt  }
0x49: {  	_ =	shalt  }
0x4a: {  	_ =	shalt  }
0x4b: {  	_ =	shalt  }
0x4c: {  	_ =	shalt  }
0x4d: {  	_ =	shalt  }
0x4e: {  	_ =	shalt  }
0x4f: {  	_ =	shalt  }
0x50: {  	_ =	shalt  }
0x51: {  	_ =	shalt  }
0x52: {  	_ =	shalt  }
0x53: {  	_ =	shalt  }
0x54: {  	_ =	shalt  }
0x55: {  	_ =	shalt  }
0x56: {  	_ =	shalt  }
0x57: {  	_ =	shalt  }
0x58: {  	_ =	shalt  }
0x59: {  	_ =	shalt  }
0x5a: {  	_ =	shalt  }
0x5b: {  	_ =	shalt  }
0x5c: {  	_ =	shalt  }
0x5d: {  	_ =	shalt  }
0x5e: {  	_ =	shalt  }
0x5f: {  	_ =	shalt  }
0x60: {  	_ =	shalt  }
0x61: {  	_ =	shalt  }
0x62: {  	_ =	shalt  }
0x63: {  	_ =	shalt  }
0x64: {  	_ =	shalt  }
0x65: {  	_ =	shalt  }
0x66: {  	_ =	shalt  }
0x67: {  	_ =	shalt  }
0x68: {  	_ =	shalt  }
0x69: {  	_ =	shalt  }
0x6a: {  	_ =	shalt  }
0x6b: {  	_ =	shalt  }
0x6c: {  	_ =	shalt  }
0x6d: {  	_ =	shalt  }
0x6e: {  	_ =	shalt  }
0x6f: {  	_ =	shalt  }
0x70: {  	_ =	shalt  }
0x71: {  	_ =	shalt  }
0x72: {  	_ =	shalt  }
0x73: {  	_ =	shalt  }
0x74: {  	_ =	shalt  }
0x75: {  	_ =	shalt  }
0x76: {  	_ =	shalt  }
0x77: {  	_ =	shalt  }
0x78: {  	_ =	shalt  }
0x79: {  	_ =	shalt  }
0x7a: {  	_ =	shalt  }
0x7b: {  	_ =	shalt  }
0x7c: {  	_ =	shalt  }
0x7d: {  	_ =	shalt  }
0x7e: {  	_ =	shalt  }
0x7f: {  	_ =	shalt  }
0x80: {  	_ =	shalt  }
0x81: {  	_ =	shalt  }
0x82: {  	_ =	shalt  }
0x83: {  	_ =	shalt  }
0x84: {  	_ =	shalt  }
0x85: {  	_ =	shalt  }
0x86: {  	_ =	shalt  }
0x87: {  	_ =	shalt  }
.Lfunc_end0:
.L_simem_size_0:
called_computation.1_lowered:
.L_overlay_start_0:
0x88: {  	s2 =	sld [smem:$0x3FD9]  }
0x89: {  	s3 =	sld [smem:$0x3FFE];
	_ =	sdelay $0x1  }
0x8a: {  	s1 =	srdreg.scid  }
0x8b: {  	s0 =	sand.u32 $0x1, s1  }
0x8c: {  	s17 =	sshll.u32 s0, $0xA;
	s2 =	sadd.s32 s3, s2  }
0x8d: {  	s2 =	sadd.s32 s2, s17  }
0x8e: {  	[smem:$0x3FC2] =	sst s2  }
0x8f: {  	_ = 	snop  }
0x90: {  	s2 =	sld [smem:$0x3FD0];
	(tm) =	ssettm $0x1  }
0x91: {  	s18 =	sld [smem:$0x3FFB];
	_ =	sdelay $0x3  }
0x92: {  	_ =	strace s18  }
0x93: {  	s3 =	sld [smem:$0x3FFC];
	_ =	sdelay $0x3  }
0x94: {  	_ =	strace s3  }
0x95: {  	s3 =	sld [smem:$0x3FFD];
	_ =	sdelay $0x3  }
0x96: {  	_ =	strace s3  }
0x97: {  	_ =	strace $0x8FFFFFFF  }
0x98: {  	s19 =	sld [smem:$0x3FDB];
	_ =	sdelay $0x1  }
0x99: {  	s4 =	simm.s32 $_scs_section_size  }
0x9a: {  	s5 =	simm.s32 $_size__tile_overlayer_lowered;
	s6 =	simm.s32 $_tile_overlayer_lowered  }
0x9b: {  	s22 =	simm.s32 $0x1BFF;
	s21 =	sshll.u32 s6, $0x1;
	s3 =	sadd.s32 s4, s19  }
0x9c: {  	s7 =	simm.s32 $0x0;
	s20 =	sshll.u32 s5, $0x1;
	s5 =	sadd.s32 s21, s3  }
0x9d: {  	[timem:s7], [sflag:s22] =	dma.local [hbm:s5], s20  }
0x9e: {  	_ =	swait.ge [sflag:s22], s20  }
0x9f: {  	s4 =	ssub.s32 $0x0, s20;
	[sflag:s22] =	ssyncset.done $0x0  }
0xa0: {  	[sflag:s22] =	ssyncadd.s32 s4;
	_ =	sdelay $0x1  }
0xa1: {  	s23 =	simm.s32 $0x1B8B  }
0xa2: {  	_ =	swait.ge [sflag:s23], $0x1  }
0xa3: {  	[sflag:s23] =	ssyncset.done $0x0  }
0xa4: {  	s25 =	simm.s32 $0x1B8E;
	s24 =	sld [smem:$0x3FFE];
	[sflag:s23] =	ssyncadd.s32 $0xFFFFFFFF  }
0xa5: {  	s26 =	simm.s32 $execute0_lowered;
	[smem:$0x3FD2] =	sst s25  }
0xa6: {  	s5 =	sshll.u32 s26, $0x1;
	_ =	strace $0x80000049;
	[dreg:$0x1] =	wrdreg $0xFFFFFFFF  }
0xa7: {  	s28 =	simm.s32 $_size_execute0_lowered;
	s3 =	sadd.s32 s3, s5;
	[dreg:$0x0] =	wrdreg $0x0  }
0xa8: {  	s5 =	sshll.u32 s28, $0x1;
	[dreg:$0x2] =	wrdreg s3  }
0xa9: {  	[dreg:$0x3] =	wrdreg s5  }
0xaa: {  	[dreg:$0x4] =	wrdreg $0xC0  }
0xab: {  	_ =	task [dreg:s7], $0x5FFFF  }
0xac: {  	[dreg:$0x1] =	wrdreg $0xFFFFFFFF  }
0xad: {  	[dreg:$0x0] =	wrdreg $0x60  }
0xae: {  	[dreg:$0x2] =	wrdreg s24  }
0xaf: {  	[dreg:$0x3] =	wrdreg s2  }
0xb0: {  	[dreg:$0x4] =	wrdreg $0x50000  }
0xb1: {  	[dreg:$0x5] =	wrdreg $0x9  }
0xb2: {  	_ =	task.clear_ibuf [dreg:s7], $0x6FFFF;
	_ =	strace $0x90000049  }
0xb3: {  	s29 =	simm.s32 $0x9;
	_ =	strace $0x8000004B  }
0xb4: {  	_ =	swait.ge [sflag:s29], $0x1  }
0xb5: {  	[sflag:s29] =	ssyncadd.s32 $0xFFFFFFFF  }
0xb6: {  	_ =	strace $0x9000004B  }
0xb7: {  	_ =	sfence  }
0xb8: {  	s30 =	sld [smem:$0x0];
	_ =	sdelay $0x2  }
0xb9: {  	s31 =	sshll.u32 s1, $0xD;
	s1 =	sshrl.u32 s1, $0x2  }
0xba: {  	s3 =	sand.u32 $0x4000, s31;
	s1 =	sadd.s32 s1, s30  }
0xbb: {  	s0 =	sor.u32 s3, s0;
	s1 =	sshll.u32 s1, $0x11  }
0xbc: {  	s0 =	sor.u32 s1, s0  }
0xbd: {  	s0 =	sadd.s32 $0x8F2B, s0  }
0xbe: {  	[sflag:s0] =	ssyncadd.remote.s32 $0x1  }
0xbf: {  	_ =	sfence.sel $0xFFFF  }
0xc0: {  	[dreg:$0x0] =	wrdreg $0xFFFFFFFF;
	(pc) =	sbr.abs _section_cstart, $3  }
0xc1: {  	[dreg:$0x1] =	wrdreg $0xFFFFFFFF  }
0xc2: {  	_ =	task.clear_ibuf [dreg:s7], $0x2FFFF;
	_ =	strace $0x9FFFFFFF  }
0xc3: {  	(tm) =	ssettm $0x7FFFFFFF  }
tec
execute0_lowered:
.L_overlay_start_1:
0x0: {  	(tag) =	ssettag $0x1  }
0x1: {  	s8 =	rddreg [dreg:$0x0]  }
0x2: {  	s1 =	rddreg [dreg:$0x1]  }
0x3: {  	s2 =	rddreg [dreg:$0x2];
	s3 =	srdreg.scid  }
0x4: {  	s0 =	rddreg [dreg:$0x3];
	s9 =	sand.u32 $0x1, s3  }
0x5: {  	s4 =	simm.s32 $0x0;
	s3 =	stileid.u32;
	s7 =	smul.u32 $0x140000, s9  }
0x6: {  	s15 =	simm.s32 $0x80;
	s16 =	simm.s32 $0x1000;
	s10 =	smul.u32 $0x14000, s3  }
0x7: {  	[smem:$0x7FF] =	sst s4;
	s5 =	sadd.s32 $0x2BC00, s8;
	s11 =	smul.u32 $0x50000, s3  }
0x8: {  	s6 =	sadd.s32 $0x17C00, s8;
	s30 =	ssub.s32 $0x2, s9;
	s9 =	smul.u32 $0x50000, s9  }
0x9: {  	_ =	strace $0x8000004A;
	s13 =	smul.u32 $0x5000, s3;
	s31 =	sshll.u32 s3, $0x6  }
0xa: {  	s12 =	sshrl.u32 s30, $0x1;
	s10 =	sadd.s32 s10, s7;
	s7 =	sadd.s32 $0x79E00, s8  }
0xb: {  	s11 =	sshrl.u32 s11, $0x2;
	s12 =	ssub.s32 s30, s12;
	s9 =	sadd.s32 s13, s9  }
0xc: {  	s13 =	simm.s32 $0x1;
	s10 =	sshrl.u32 s10, $0x3;
	s14 =	sadd.s32 s11, s2  }
0xd: {  	s11 =	smax.u32 s12, $0x1;
	s10 =	sadd.s32 s10, s8;
	s8 =	sor.u32 $0x1C01, s31  }
0xe: {  	s12 =	sshrl.u32 s14, $0x3;
	s14 =	simm.s32 $0x800;
	s10 =	sadd.s32 $0x7C600, s10  }
.LBB2_1:
0xf: {  	[spmem:s12], [sflag:s8] =	dma.local [hbm:s7], $0x2800  }
0x10: {  	_ =	swait.ge [sflag:s13], $0x2800  }
0x11: {  	[sflag:s13] =	ssyncset.done $0x0  }
0x12: {  	[sflag:s13] =	ssyncadd.s32 $0xFFFFD800  }
0x13: {  	s17 =	simm.s32 $0x0;
	[bflag:$0x0] =	sbarrier.arrive $0xFFFF  }
.LBB2_2:
0x14: {  	s18 =	sshll.u32 s17, $0xB  }
0x15: {  	s18 =	sadd.s32 s18, s9  }
0x16: {  	s18 =	sshrl.u32 s18, $0x3  }
0x17: {  	s20 =	simm.s32 $0x0;
	s19 =	sadd.s32 s1, s18  }
0x18: {  	[tilespmem:s20], [sflag:$0x1] =	stream.linear.gather [hbm4b:s19+s20], $0x800, $0x38;
	[tilespmem:$0x19000] =	vst v63  }
0x19: {  	_ =	swait.ge [sflag:s13], $0x800  }
0x1a: {  	[sflag:s13] =	ssyncset.done $0x0  }
0x1b: {  	s18 =	sadd.s32 s6, s18;
	[sflag:s13] =	ssyncadd.s32 $0xFFFFF800  }
0x1c: {  	[tilespmem:s14], [sflag:$0x1] =	stream.linear.gather [hbm4b:s18+s20], $0x800, $0x38;
	[tilespmem:$0x19000] =	vst v63  }
0x1d: {  	_ =	swait.ge [sflag:s13], $0x800  }
0x1e: {  	[sflag:s13] =	ssyncset.done $0x0  }
0x1f: {  	s30 =	simm.s32 $0x0;
	[sflag:s13] =	ssyncadd.s32 $0xFFFFF800  }
0x20: {  	[tilespmem:s16], [sflag:$0x1] =	stream.indirect.gather [hbm4b:s5+s15], $0x80, s30, s15, $0xb8;
	[tilespmem:$0x19000] =	vst v63  }
0x21: {  	_ =	swait.ge [sflag:s13], $0x4000  }
0x22: {  	[sflag:s13] =	ssyncset.done $0x0  }
0x23: {  	s31 =	simm.s32 $0x800;
	[sflag:s13] =	ssyncadd.s32 $0xFFFFC000  }
0x24: {  	[spmem:s2] =	stream.indirect.scatter.add.f32 [tilespmem:s16], [sflag:$0x1], $0x80, s31, s15, $0xb8;
	[tilespmem:$0x19000] =	vst v63  }
0x25: {  	_ =	swait.ge [sflag:s13], $0x4000  }
0x26: {  	s19 =	simm.s32 $0x400;
	s18 =	simm.s32 $0x200;
	[sflag:s13] =	ssyncset.done $0x0  }
.LBB2_3:
0x27: {  	s20 =	sshra.s32 s18, $0x2  }
0x28: {  	[sflag:s13] =	ssyncadd.s32 $0xFFFFC000;
	s18 =	smov.u32 s19;
	s21 =	sadd.s32 $0x200, s19  }
0x29: {  	[tilespmem:s16], [sflag:$0x1] =	stream.indirect.gather [hbm4b:s5+s15], $0x80, s20, s15, $0xb8;
	[tilespmem:$0x19000] =	vst v63  }
0x2a: {  	p0 =	sne.s32 s19, $0x1E00;
	_ =	swait.ge [sflag:s13], $0x4000  }
.Ltmp0:
0x2b: {  	[sflag:s13] =	ssyncset.done $0x0;
	(pc) =	sbr.rel @p0 .LBB2_3-.Ltmp0, $4  }
0x2c: {  	s19 =	sadd.s32 $0x800, s20;
	[sflag:s13] =	ssyncadd.s32 $0xFFFFC000  }
0x2d: {  	[spmem:s2] =	stream.indirect.scatter.add.f32 [tilespmem:s16], [sflag:$0x1], $0x80, s19, s15, $0xb8;
	[tilespmem:$0x19000] =	vst v63  }
0x2e: {  	_ =	swait.ge [sflag:s13], $0x4000  }
0x2f: {  	s19 =	smov.u32 s21;
	[sflag:s13] =	ssyncset.done $0x0  }
0x30: {  	s18 =	sshra.s32 s18, $0x2;
	[sflag:s13] =	ssyncadd.s32 $0xFFFFC000  }
0x31: {  	[tilespmem:s16], [sflag:$0x1] =	stream.indirect.gather [hbm4b:s5+s15], $0x80, s18, s15, $0xb8;
	[tilespmem:$0x19000] =	vst v63  }
0x32: {  	s17 =	sadd.s32 $0x1, s17;
	_ =	swait.ge [sflag:s13], $0x4000  }
0x33: {  	p0 =	sne.s32 s17, $0xA;
	[sflag:s13] =	ssyncset.done $0x0  }
.Ltmp1:
0x34: {  	s18 =	sadd.s32 $0x800, s18;
	[sflag:s13] =	ssyncadd.s32 $0xFFFFC000;
	(pc) =	sbr.rel @p0 .LBB2_2-.Ltmp1, $4  }
0x35: {  	[spmem:s2] =	stream.indirect.scatter.add.f32 [tilespmem:s16], [sflag:$0x1], $0x80, s18, s15, $0xb8;
	[tilespmem:$0x19000] =	vst v63  }
0x36: {  	_ =	swait.ge [sflag:s13], $0x4000  }
0x37: {  	[sflag:s13] =	ssyncset.done $0x0  }
0x38: {  	[sflag:s13] =	ssyncadd.s32 $0xFFFFC000  }
0x39: {  	s4 =	sadd.s32 $0x1, s4  }
0x3a: {  	p0 =	sne.s32 s4, s11  }
.Ltmp2:
0x3b: {  	[bflag:$0x0] =	sbarrier.arrive $0xFFFF;
	(pc) =	sbr.rel @p0 .LBB2_1-.Ltmp2, $4  }
0x3c: {  	[hbm:s10], [sflag:s8] =	dma.local [spmem:s12], $0x2800  }
0x3d: {  	_ =	swait.ge [sflag:s13], $0x2800  }
0x3e: {  	[sflag:s13] =	ssyncset.done $0x0  }
0x3f: {  	[sflag:s13] =	ssyncadd.s32 $0xFFFFD800  }
0x40: {  	_ =	sfence.sel $0x180000  }
0x41: {  	[bflag:$0x0] =	sbarrier.arrive $0xFFFF  }
0x42: {  	p0 =	sne.s32 s3, $0x0;
	_ =	strace $0x9000004A  }
0x43: {  	s0 =	sadd.s32 @!p0 $0x100000, s0;
	[bflag:$0x2] =	sbarrier.arrive $0xFFFF  }
0x44: {  	[sflag:s0] =	ssyncadd.tile.s32 @!p0 $0x1;
	_ =	shalt  }
.Lfunc_end2:
_tile_overlayer_lowered:
.L_overlay_start_2:
0x45: {  	(tag) =	ssettag $0x2  }
0x46: {  	s0 =	rddreg [dreg:$0x0];
	s2 =	stileid.u32  }
0x47: {  	s1 =	rddreg [dreg:$0x1];
	p0 =	sne.s32 s2, $0x0  }
0x48: {  	s3 =	rddreg [dreg:$0x2];
	[bflag:$0x3] =	sbarrier.arrive $0xFFFF;
	s2 =	simm.s32 @!p0 $0x1C01  }
0x49: {  	[timem:s3], [sflag:s2] =	dma.local @!p0 [hbm:s0], s1  }
0x4a: {  	s0 =	simm.s32 @!p0 $0x1  }
0x4b: {  	_ =	swait.ge @!p0 [sflag:s0], s1  }
0x4c: {  	s1 =	ssub.s32 @!p0 $0x0, s1;
	[sflag:s0] =	ssyncset.done @!p0 $0x0  }
0x4d: {  	[sflag:s0] =	ssyncadd.s32 @!p0 s1  }
0x4e: {  	[bflag:$0x3] =	sbarrier.arrive $0xFFFF  }
0x4f: {  	_ =	shalt  }

// kernel: kernel.14.cloned.1.call-start
scs
__scs_entry_jumppad:
0x0: {  	(pc) =	sbr.rel $0x88, $3  }
0x1: {  	(tag) =	ssettag $0x0;
	lr =	simm.s32 $0x1  }
0x2: {  	[smem:$0x3F9B] =	sst lr;
	_ =	strace $0xD0000000  }
0x3: {  	_ = 	snop  }
0x4: {  	_ = 	snop  }
0x5: {  	_ = 	snop  }
0x6: {  	_ = 	snop  }
0x7: {  	_ = 	snop  }
__scs_overlays_trampoline_lowered:
0x8: {  	[smem:$0x3FAA] =	sst s0  }
0x9: {  	[smem:$0x3FAB] =	sst s1  }
0xa: {  	[smem:$0x3FAC] =	sst s2  }
0xb: {  	[smem:$0x3FAD] =	sst s3  }
0xc: {  	[smem:$0x3FAE] =	sst s4  }
0xd: {  	[smem:$0x3FAF] =	sst s5  }
0xe: {  	[smem:$0x3FB0] =	sst s6  }
0xf: {  	[smem:$0x3FB1] =	sst s7  }
0x10: {  	[smem:$0x3FB2] =	sst s8  }
0x11: {  	[smem:$0x3FB3] =	sst s9;
	s0 =	simm.s32 @!p0 $0x0  }
0x12: {  	s1 =	sld [smem:$0x3F99];
	s0 =	simm.s32 @p0 $0x1  }
0x13: {  	[smem:$0x3FB4] =	sst s0;
	s0 =	simm.s32 @!p1 $0x0  }
0x14: {  	s2 =	sld [smem:$0x3F98];
	s0 =	simm.s32 @p1 $0x1  }
0x15: {  	[smem:$0x3FB5] =	sst s0;
	s0 =	simm.s32 @!p2 $0x0  }
0x16: {  	s3 =	sld [smem:$0x3FDB];
	s0 =	simm.s32 @p2 $0x1  }
0x17: {  	s4 =	simm.s32 $0x1BF5;
	[smem:$0x3FB7] =	sst s0  }
0x18: {  	s0 =	sld [smem:$0x3F9A];
	_ =	swait.ge [sflag:s4], $0x0  }
0x19: {  	s7 =	sld [smem:$0x3F9B]  }
0x1a: {  	s8 =	sadd.s32 $0xFFFFE003, lr  }
0x1b: {  	s9 =	sadd.s32 $0xFFFFFEF7, lr;
	s5 =	simm.s32 $0xFFFFFFFF;
	p2 =	slt.u32 s8, $0xFFFFF086  }
0x1c: {  	p1 =	slt.u32 s9, $0xF7A;
	s5 =	simm.s32 @!p2 $0x0  }
0x1d: {  	s5 =	simm.s32 @p1 $0x1;
	p0 =	seq.s32 s7, s2  }
0x1e: {  	s7 =	smul.u32 @!p0 $0xF7A, s2;
	p2 =	seq.s32 @!p0 s5, $0x0  }
0x1f: {  	s9 =	smul.u32 $0xF7A, s1;
	s8 =	simm.s32 @!p0 $0x1BF5;
	p2 =	por !p2, p0  }
0x20: {  	[sflag:s8] =	ssyncset.s32 @!p0 $0xFFFFF086;
	s6 =	sadd.s32 @!p0 s3, s7;
	s7 =	simm.s32 @!p0 $0x108  }
0x21: {  	s3 =	sadd.s32 s3, s9;
	s6 =	sadd.s32 @!p0 $0x88, s6;
	s7 =	simm.s32 @p2 $0x1082  }
0x22: {  	[simem:s7], [sflag:s8] =	dma.local @!p0 [hbm:s6], $0xF7A  }
0x23: {  	s9 =	sor.u32 $0xD0000000, s2;
	s6 =	simm.s32 $0x108;
	_ =	swait.ge @!p0 [sflag:s8], $0x0  }
0x24: {  	s3 =	sadd.s32 $0x88, s3;
	s6 =	simm.s32 @!p1 $0x1082;
	[sflag:s4] =	ssyncset.s32 $0xFFFFF086  }
0x25: {  	[simem:s6], [sflag:s4] =	dma.local [hbm:s3], $0xF7A  }
0x26: {  	[smem:$0x3F9B] =	sst s1;
	(tag) =	ssettag s2;
	_ =	strace s9  }
0x27: {  	s1 =	sld [smem:$0x3FAB]  }
0x28: {  	s2 =	sld [smem:$0x3FAC]  }
0x29: {  	s4 =	sld [smem:$0x3FAE]  }
0x2a: {  	p0 =	seq.s32 s5, $0x0;
	s5 =	sld [smem:$0x3FAF]  }
0x2b: {  	s6 =	sld [smem:$0x3FB0]  }
0x2c: {  	s7 =	sld [smem:$0x3FB1]  }
0x2d: {  	s3 =	simm.s32 $0x108;
	s8 =	sld [smem:$0x3FB2]  }
0x2e: {  	s3 =	simm.s32 @!p0 $0x1082;
	s9 =	sld [smem:$0x3FB3]  }
0x2f: {  	lr =	sadd.s32 s0, s3;
	s0 =	sld [smem:$0x3FAA]  }
0x30: {  	s3 =	sld [smem:$0x3FAD]  }
0x31: {  	[smem:$0x3FB6] =	sst s10  }
0x32: {  	s10 =	sld [smem:$0x3FB4];
	_ =	sdelay $0x3  }
0x33: {  	p0 =	seq.s32 s10, $0x1;
	s10 =	sld [smem:$0x3FB6];
	_ =	sdelay $0x3  }
0x34: {  	[smem:$0x3FB6] =	sst s10  }
0x35: {  	s10 =	sld [smem:$0x3FB5];
	_ =	sdelay $0x3  }
0x36: {  	p1 =	seq.s32 s10, $0x1;
	s10 =	sld [smem:$0x3FB6];
	_ =	sdelay $0x3  }
0x37: {  	[smem:$0x3FB6] =	sst s10  }
0x38: {  	s10 =	sld [smem:$0x3FB7]  }
0x39: {  	_ = 	snop;
	(pc) =	sbr.ind lr, $3  }
0x3a: {  	_ = 	snop  }
0x3b: {  	_ = 	snop  }
0x3c: {  	p2 =	seq.s32 s10, $0x1;
	s10 =	sld [smem:$0x3FB6]  }
0x3d: {  	_ =	shalt  }
0x3e: {  	_ =	shalt  }
0x3f: {  	_ =	shalt  }
0x40: {  	_ =	shalt  }
0x41: {  	_ =	shalt  }
0x42: {  	_ =	shalt  }
0x43: {  	_ =	shalt  }
0x44: {  	_ =	shalt  }
0x45: {  	_ =	shalt  }
0x46: {  	_ =	shalt  }
0x47: {  	_ =	shalt  }
0x48: {  	_ =	shalt  }
0x49: {  	_ =	shalt  }
0x4a: {  	_ =	shalt  }
0x4b: {  	_ =	shalt  }
0x4c: {  	_ =	shalt  }
0x4d: {  	_ =	shalt  }
0x4e: {  	_ =	shalt  }
0x4f: {  	_ =	shalt  }
0x50: {  	_ =	shalt  }
0x51: {  	_ =	shalt  }
0x52: {  	_ =	shalt  }
0x53: {  	_ =	shalt  }
0x54: {  	_ =	shalt  }
0x55: {  	_ =	shalt  }
0x56: {  	_ =	shalt  }
0x57: {  	_ =	shalt  }
0x58: {  	_ =	shalt  }
0x59: {  	_ =	shalt  }
0x5a: {  	_ =	shalt  }
0x5b: {  	_ =	shalt  }
0x5c: {  	_ =	shalt  }
0x5d: {  	_ =	shalt  }
0x5e: {  	_ =	shalt  }
0x5f: {  	_ =	shalt  }
0x60: {  	_ =	shalt  }
0x61: {  	_ =	shalt  }
0x62: {  	_ =	shalt  }
0x63: {  	_ =	shalt  }
0x64: {  	_ =	shalt  }
0x65: {  	_ =	shalt  }
0x66: {  	_ =	shalt  }
0x67: {  	_ =	shalt  }
0x68: {  	_ =	shalt  }
0x69: {  	_ =	shalt  }
0x6a: {  	_ =	shalt  }
0x6b: {  	_ =	shalt  }
0x6c: {  	_ =	shalt  }
0x6d: {  	_ =	shalt  }
0x6e: {  	_ =	shalt  }
0x6f: {  	_ =	shalt  }
0x70: {  	_ =	shalt  }
0x71: {  	_ =	shalt  }
0x72: {  	_ =	shalt  }
0x73: {  	_ =	shalt  }
0x74: {  	_ =	shalt  }
0x75: {  	_ =	shalt  }
0x76: {  	_ =	shalt  }
0x77: {  	_ =	shalt  }
0x78: {  	_ =	shalt  }
0x79: {  	_ =	shalt  }
0x7a: {  	_ =	shalt  }
0x7b: {  	_ =	shalt  }
0x7c: {  	_ =	shalt  }
0x7d: {  	_ =	shalt  }
0x7e: {  	_ =	shalt  }
0x7f: {  	_ =	shalt  }
0x80: {  	_ =	shalt  }
0x81: {  	_ =	shalt  }
0x82: {  	_ =	shalt  }
0x83: {  	_ =	shalt  }
0x84: {  	_ =	shalt  }
0x85: {  	_ =	shalt  }
0x86: {  	_ =	shalt  }
0x87: {  	_ =	shalt  }
.Lfunc_end0:
.L_simem_size_0:
called_computation.2_lowered:
.L_overlay_start_0:
0x88: {  	s2 =	sld [smem:$0x3FD9]  }
0x89: {  	s3 =	sld [smem:$0x3FFE];
	_ =	sdelay $0x1  }
0x8a: {  	s1 =	srdreg.scid  }
0x8b: {  	s0 =	sand.u32 $0x1, s1  }
0x8c: {  	s17 =	sshll.u32 s0, $0xA;
	s2 =	sadd.s32 s3, s2  }
0x8d: {  	s2 =	sadd.s32 s2, s17  }
0x8e: {  	[smem:$0x3FC2] =	sst s2  }
0x8f: {  	_ = 	snop  }
0x90: {  	s2 =	sld [smem:$0x3FD0];
	(tm) =	ssettm $0x1  }
0x91: {  	s18 =	sld [smem:$0x3FFB];
	_ =	sdelay $0x3  }
0x92: {  	_ =	strace s18  }
0x93: {  	s3 =	sld [smem:$0x3FFC];
	_ =	sdelay $0x3  }
0x94: {  	_ =	strace s3  }
0x95: {  	s3 =	sld [smem:$0x3FFD];
	_ =	sdelay $0x3  }
0x96: {  	_ =	strace s3  }
0x97: {  	_ =	strace $0x8FFFFFFF  }
0x98: {  	s19 =	sld [smem:$0x3FDB];
	_ =	sdelay $0x1  }
0x99: {  	s4 =	simm.s32 $_scs_section_size  }
0x9a: {  	s5 =	simm.s32 $_size__tile_overlayer_lowered;
	s6 =	simm.s32 $_tile_overlayer_lowered  }
0x9b: {  	s22 =	simm.s32 $0x1BFF;
	s21 =	sshll.u32 s6, $0x1;
	s3 =	sadd.s32 s4, s19  }
0x9c: {  	s7 =	simm.s32 $0x0;
	s20 =	sshll.u32 s5, $0x1;
	s5 =	sadd.s32 s21, s3  }
0x9d: {  	[timem:s7], [sflag:s22] =	dma.local [hbm:s5], s20  }
0x9e: {  	_ =	swait.ge [sflag:s22], s20  }
0x9f: {  	s4 =	ssub.s32 $0x0, s20;
	[sflag:s22] =	ssyncset.done $0x0  }
0xa0: {  	[sflag:s22] =	ssyncadd.s32 s4;
	_ =	sdelay $0x1  }
0xa1: {  	s23 =	simm.s32 $0x1B8B  }
0xa2: {  	_ =	swait.ge [sflag:s23], $0x1  }
0xa3: {  	[sflag:s23] =	ssyncset.done $0x0  }
0xa4: {  	s25 =	simm.s32 $0x1B8E;
	s24 =	sld [smem:$0x3FFE];
	[sflag:s23] =	ssyncadd.s32 $0xFFFFFFFF  }
0xa5: {  	s26 =	simm.s32 $execute0_lowered;
	[smem:$0x3FD2] =	sst s25  }
0xa6: {  	s5 =	sshll.u32 s26, $0x1;
	_ =	strace $0x8000004C;
	[dreg:$0x1] =	wrdreg $0xFFFFFFFF  }
0xa7: {  	s28 =	simm.s32 $_size_execute0_lowered;
	s3 =	sadd.s32 s3, s5;
	[dreg:$0x0] =	wrdreg $0x0  }
0xa8: {  	s5 =	sshll.u32 s28, $0x1;
	[dreg:$0x2] =	wrdreg s3  }
0xa9: {  	[dreg:$0x3] =	wrdreg s5  }
0xaa: {  	[dreg:$0x4] =	wrdreg $0xC0  }
0xab: {  	_ =	task [dreg:s7], $0x5FFFF  }
0xac: {  	[dreg:$0x1] =	wrdreg $0xFFFFFFFF  }
0xad: {  	[dreg:$0x0] =	wrdreg $0x60  }
0xae: {  	[dreg:$0x2] =	wrdreg s2  }
0xaf: {  	[dreg:$0x3] =	wrdreg s24  }
0xb0: {  	[dreg:$0x4] =	wrdreg $0x50000  }
0xb1: {  	[dreg:$0x5] =	wrdreg $0x9  }
0xb2: {  	_ =	task.clear_ibuf [dreg:s7], $0x6FFFF;
	_ =	strace $0x9000004C  }
0xb3: {  	s29 =	simm.s32 $0x9;
	_ =	strace $0x8000004E  }
0xb4: {  	_ =	swait.ge [sflag:s29], $0x1  }
0xb5: {  	[sflag:s29] =	ssyncadd.s32 $0xFFFFFFFF  }
0xb6: {  	_ =	strace $0x9000004E  }
0xb7: {  	_ =	sfence  }
0xb8: {  	s30 =	sld [smem:$0x0];
	_ =	sdelay $0x2  }
0xb9: {  	s31 =	sshll.u32 s1, $0xD;
	s1 =	sshrl.u32 s1, $0x2  }
0xba: {  	s3 =	sand.u32 $0x4000, s31;
	s1 =	sadd.s32 s1, s30  }
0xbb: {  	s0 =	sor.u32 s3, s0;
	s1 =	sshll.u32 s1, $0x11  }
0xbc: {  	s0 =	sor.u32 s1, s0  }
0xbd: {  	s0 =	sadd.s32 $0x8F2B, s0  }
0xbe: {  	[sflag:s0] =	ssyncadd.remote.s32 $0x1  }
0xbf: {  	_ =	sfence.sel $0xFFFF  }
0xc0: {  	[dreg:$0x0] =	wrdreg $0xFFFFFFFF;
	(pc) =	sbr.abs _section_cstart, $3  }
0xc1: {  	[dreg:$0x1] =	wrdreg $0xFFFFFFFF  }
0xc2: {  	_ =	task.clear_ibuf [dreg:s7], $0x2FFFF;
	_ =	strace $0x9FFFFFFF  }
0xc3: {  	(tm) =	ssettm $0x7FFFFFFF  }
tec
execute0_lowered:
.L_overlay_start_1:
0x0: {  	(tag) =	ssettag $0x1  }
0x1: {  	s1 =	rddreg [dreg:$0x0]  }
0x2: {  	s8 =	rddreg [dreg:$0x1]  }
0x3: {  	s2 =	rddreg [dreg:$0x2];
	s3 =	srdreg.scid  }
0x4: {  	s0 =	rddreg [dreg:$0x3];
	s9 =	sand.u32 $0x1, s3  }
0x5: {  	s4 =	simm.s32 $0x0;
	s3 =	stileid.u32;
	s7 =	smul.u32 $0x140000, s9  }
0x6: {  	s15 =	simm.s32 $0x80;
	s16 =	simm.s32 $0x1000;
	s10 =	smul.u32 $0x14000, s3  }
0x7: {  	[smem:$0x7FF] =	sst s4;
	s5 =	sadd.s32 $0xDC00, s8;
	s11 =	smul.u32 $0x50000, s3  }
0x8: {  	s6 =	sadd.s32 $0x3400, s8;
	s30 =	ssub.s32 $0x2, s9;
	s9 =	smul.u32 $0x28000, s9  }
0x9: {  	_ =	strace $0x8000004D;
	s13 =	smul.u32 $0x2800, s3;
	s31 =	sshll.u32 s3, $0x6  }
0xa: {  	s12 =	sshrl.u32 s30, $0x1;
	s10 =	sadd.s32 s10, s7;
	s7 =	sadd.s32 $0x79E00, s8  }
0xb: {  	s11 =	sshrl.u32 s11, $0x2;
	s12 =	ssub.s32 s30, s12;
	s9 =	sadd.s32 s13, s9  }
0xc: {  	s13 =	simm.s32 $0x1;
	s10 =	sshrl.u32 s10, $0x3;
	s14 =	sadd.s32 s11, s2  }
0xd: {  	s11 =	smax.u32 s12, $0x1;
	s10 =	sadd.s32 s10, s8;
	s8 =	sor.u32 $0x1C01, s31  }
0xe: {  	s12 =	sshrl.u32 s14, $0x3;
	s14 =	simm.s32 $0x800;
	s10 =	sadd.s32 $0x17C00, s10  }
.LBB2_1:
0xf: {  	[spmem:s12], [sflag:s8] =	dma.local [hbm:s7], $0x2800  }
0x10: {  	_ =	swait.ge [sflag:s13], $0x2800  }
0x11: {  	[sflag:s13] =	ssyncset.done $0x0  }
0x12: {  	[sflag:s13] =	ssyncadd.s32 $0xFFFFD800  }
0x13: {  	s17 =	simm.s32 $0x0;
	[bflag:$0x0] =	sbarrier.arrive $0xFFFF  }
.LBB2_2:
0x14: {  	s18 =	sshll.u32 s17, $0xB  }
0x15: {  	s18 =	sadd.s32 s18, s9  }
0x16: {  	s18 =	sshrl.u32 s18, $0x3  }
0x17: {  	s20 =	simm.s32 $0x0;
	s19 =	sadd.s32 s5, s18  }
0x18: {  	[tilespmem:s20], [sflag:$0x1] =	stream.linear.gather [hbm4b:s19+s20], $0x800, $0x38;
	[tilespmem:$0x19000] =	vst v63  }
0x19: {  	_ =	swait.ge [sflag:s13], $0x800  }
0x1a: {  	[sflag:s13] =	ssyncset.done $0x0  }
0x1b: {  	s18 =	sadd.s32 s6, s18;
	[sflag:s13] =	ssyncadd.s32 $0xFFFFF800  }
0x1c: {  	[tilespmem:s14], [sflag:$0x1] =	stream.linear.gather [hbm4b:s18+s20], $0x800, $0x38;
	[tilespmem:$0x19000] =	vst v63  }
0x1d: {  	_ =	swait.ge [sflag:s13], $0x800  }
0x1e: {  	[sflag:s13] =	ssyncset.done $0x0  }
0x1f: {  	s30 =	simm.s32 $0x0;
	[sflag:s13] =	ssyncadd.s32 $0xFFFFF800  }
0x20: {  	[tilespmem:s16], [sflag:$0x1] =	stream.indirect.gather [hbm4b:s1+s15], $0x80, s30, s15, $0xb8;
	[tilespmem:$0x19000] =	vst v63  }
0x21: {  	_ =	swait.ge [sflag:s13], $0x4000  }
0x22: {  	[sflag:s13] =	ssyncset.done $0x0  }
0x23: {  	s31 =	simm.s32 $0x800;
	[sflag:s13] =	ssyncadd.s32 $0xFFFFC000  }
0x24: {  	[spmem:s2] =	stream.indirect.scatter.add.f32 [tilespmem:s16], [sflag:$0x1], $0x80, s31, s15, $0xb8;
	[tilespmem:$0x19000] =	vst v63  }
0x25: {  	_ =	swait.ge [sflag:s13], $0x4000  }
0x26: {  	s19 =	simm.s32 $0x400;
	s18 =	simm.s32 $0x200;
	[sflag:s13] =	ssyncset.done $0x0  }
.LBB2_3:
0x27: {  	s20 =	sshra.s32 s18, $0x2  }
0x28: {  	[sflag:s13] =	ssyncadd.s32 $0xFFFFC000;
	s18 =	smov.u32 s19;
	s21 =	sadd.s32 $0x200, s19  }
0x29: {  	[tilespmem:s16], [sflag:$0x1] =	stream.indirect.gather [hbm4b:s1+s15], $0x80, s20, s15, $0xb8;
	[tilespmem:$0x19000] =	vst v63  }
0x2a: {  	p0 =	sne.s32 s19, $0x1E00;
	_ =	swait.ge [sflag:s13], $0x4000  }
.Ltmp0:
0x2b: {  	[sflag:s13] =	ssyncset.done $0x0;
	(pc) =	sbr.rel @p0 .LBB2_3-.Ltmp0, $4  }
0x2c: {  	s19 =	sadd.s32 $0x800, s20;
	[sflag:s13] =	ssyncadd.s32 $0xFFFFC000  }
0x2d: {  	[spmem:s2] =	stream.indirect.scatter.add.f32 [tilespmem:s16], [sflag:$0x1], $0x80, s19, s15, $0xb8;
	[tilespmem:$0x19000] =	vst v63  }
0x2e: {  	_ =	swait.ge [sflag:s13], $0x4000  }
0x2f: {  	s19 =	smov.u32 s21;
	[sflag:s13] =	ssyncset.done $0x0  }
0x30: {  	s18 =	sshra.s32 s18, $0x2;
	[sflag:s13] =	ssyncadd.s32 $0xFFFFC000  }
0x31: {  	[tilespmem:s16], [sflag:$0x1] =	stream.indirect.gather [hbm4b:s1+s15], $0x80, s18, s15, $0xb8;
	[tilespmem:$0x19000] =	vst v63  }
0x32: {  	s17 =	sadd.s32 $0x1, s17;
	_ =	swait.ge [sflag:s13], $0x4000  }
0x33: {  	p0 =	sne.s32 s17, $0x5;
	[sflag:s13] =	ssyncset.done $0x0  }
.Ltmp1:
0x34: {  	s18 =	sadd.s32 $0x800, s18;
	[sflag:s13] =	ssyncadd.s32 $0xFFFFC000;
	(pc) =	sbr.rel @p0 .LBB2_2-.Ltmp1, $4  }
0x35: {  	[spmem:s2] =	stream.indirect.scatter.add.f32 [tilespmem:s16], [sflag:$0x1], $0x80, s18, s15, $0xb8;
	[tilespmem:$0x19000] =	vst v63  }
0x36: {  	_ =	swait.ge [sflag:s13], $0x4000  }
0x37: {  	[sflag:s13] =	ssyncset.done $0x0  }
0x38: {  	[sflag:s13] =	ssyncadd.s32 $0xFFFFC000  }
0x39: {  	s4 =	sadd.s32 $0x1, s4  }
0x3a: {  	p0 =	sne.s32 s4, s11  }
.Ltmp2:
0x3b: {  	[bflag:$0x0] =	sbarrier.arrive $0xFFFF;
	(pc) =	sbr.rel @p0 .LBB2_1-.Ltmp2, $4  }
0x3c: {  	[hbm:s10], [sflag:s8] =	dma.local [spmem:s12], $0x2800  }
0x3d: {  	_ =	swait.ge [sflag:s13], $0x2800  }
0x3e: {  	[sflag:s13] =	ssyncset.done $0x0  }
0x3f: {  	[sflag:s13] =	ssyncadd.s32 $0xFFFFD800  }
0x40: {  	_ =	sfence.sel $0x180000  }
0x41: {  	[bflag:$0x0] =	sbarrier.arrive $0xFFFF  }
0x42: {  	p0 =	sne.s32 s3, $0x0;
	_ =	strace $0x9000004D  }
0x43: {  	s0 =	sadd.s32 @!p0 $0x100000, s0;
	[bflag:$0x2] =	sbarrier.arrive $0xFFFF  }
0x44: {  	[sflag:s0] =	ssyncadd.tile.s32 @!p0 $0x1;
	_ =	shalt  }
.Lfunc_end2:
_tile_overlayer_lowered:
.L_overlay_start_2:
0x45: {  	(tag) =	ssettag $0x2  }
0x46: {  	s0 =	rddreg [dreg:$0x0];
	s2 =	stileid.u32  }
0x47: {  	s1 =	rddreg [dreg:$0x1];
	p0 =	sne.s32 s2, $0x0  }
0x48: {  	s3 =	rddreg [dreg:$0x2];
	[bflag:$0x3] =	sbarrier.arrive $0xFFFF;
	s2 =	simm.s32 @!p0 $0x1C01  }
0x49: {  	[timem:s3], [sflag:s2] =	dma.local @!p0 [hbm:s0], s1  }
0x4a: {  	s0 =	simm.s32 @!p0 $0x1  }
0x4b: {  	_ =	swait.ge @!p0 [sflag:s0], s1  }
0x4c: {  	s1 =	ssub.s32 @!p0 $0x0, s1;
	[sflag:s0] =	ssyncset.done @!p0 $0x0  }
0x4d: {  	[sflag:s0] =	ssyncadd.s32 @!p0 s1  }
0x4e: {  	[bflag:$0x3] =	sbarrier.arrive $0xFFFF  }
0x4f: {  	_ =	shalt  }

// kernel: kernel.8.cloned.1.call-start
scs
__scs_entry_jumppad:
0x0: {  	(pc) =	sbr.rel $0x88, $3  }
0x1: {  	(tag) =	ssettag $0x0;
	lr =	simm.s32 $0x1  }
0x2: {  	[smem:$0x3F9B] =	sst lr;
	_ =	strace $0xD0000000  }
0x3: {  	_ = 	snop  }
0x4: {  	_ = 	snop  }
0x5: {  	_ = 	snop  }
0x6: {  	_ = 	snop  }
0x7: {  	_ = 	snop  }
__scs_overlays_trampoline_lowered:
0x8: {  	[smem:$0x3FAA] =	sst s0  }
0x9: {  	[smem:$0x3FAB] =	sst s1  }
0xa: {  	[smem:$0x3FAC] =	sst s2  }
0xb: {  	[smem:$0x3FAD] =	sst s3  }
0xc: {  	[smem:$0x3FAE] =	sst s4  }
0xd: {  	[smem:$0x3FAF] =	sst s5  }
0xe: {  	[smem:$0x3FB0] =	sst s6  }
0xf: {  	[smem:$0x3FB1] =	sst s7  }
0x10: {  	[smem:$0x3FB2] =	sst s8  }
0x11: {  	[smem:$0x3FB3] =	sst s9;
	s0 =	simm.s32 @!p0 $0x0  }
0x12: {  	s1 =	sld [smem:$0x3F99];
	s0 =	simm.s32 @p0 $0x1  }
0x13: {  	[smem:$0x3FB4] =	sst s0;
	s0 =	simm.s32 @!p1 $0x0  }
0x14: {  	s2 =	sld [smem:$0x3F98];
	s0 =	simm.s32 @p1 $0x1  }
0x15: {  	[smem:$0x3FB5] =	sst s0;
	s0 =	simm.s32 @!p2 $0x0  }
0x16: {  	s3 =	sld [smem:$0x3FDB];
	s0 =	simm.s32 @p2 $0x1  }
0x17: {  	s4 =	simm.s32 $0x1BF5;
	[smem:$0x3FB7] =	sst s0  }
0x18: {  	s0 =	sld [smem:$0x3F9A];
	_ =	swait.ge [sflag:s4], $0x0  }
0x19: {  	s7 =	sld [smem:$0x3F9B]  }
0x1a: {  	s8 =	sadd.s32 $0xFFFFE003, lr  }
0x1b: {  	s9 =	sadd.s32 $0xFFFFFEF7, lr;
	s5 =	simm.s32 $0xFFFFFFFF;
	p2 =	slt.u32 s8, $0xFFFFF086  }
0x1c: {  	p1 =	slt.u32 s9, $0xF7A;
	s5 =	simm.s32 @!p2 $0x0  }
0x1d: {  	s5 =	simm.s32 @p1 $0x1;
	p0 =	seq.s32 s7, s2  }
0x1e: {  	s7 =	smul.u32 @!p0 $0xF7A, s2;
	p2 =	seq.s32 @!p0 s5, $0x0  }
0x1f: {  	s9 =	smul.u32 $0xF7A, s1;
	s8 =	simm.s32 @!p0 $0x1BF5;
	p2 =	por !p2, p0  }
0x20: {  	[sflag:s8] =	ssyncset.s32 @!p0 $0xFFFFF086;
	s6 =	sadd.s32 @!p0 s3, s7;
	s7 =	simm.s32 @!p0 $0x108  }
0x21: {  	s3 =	sadd.s32 s3, s9;
	s6 =	sadd.s32 @!p0 $0x88, s6;
	s7 =	simm.s32 @p2 $0x1082  }
0x22: {  	[simem:s7], [sflag:s8] =	dma.local @!p0 [hbm:s6], $0xF7A  }
0x23: {  	s9 =	sor.u32 $0xD0000000, s2;
	s6 =	simm.s32 $0x108;
	_ =	swait.ge @!p0 [sflag:s8], $0x0  }
0x24: {  	s3 =	sadd.s32 $0x88, s3;
	s6 =	simm.s32 @!p1 $0x1082;
	[sflag:s4] =	ssyncset.s32 $0xFFFFF086  }
0x25: {  	[simem:s6], [sflag:s4] =	dma.local [hbm:s3], $0xF7A  }
0x26: {  	[smem:$0x3F9B] =	sst s1;
	(tag) =	ssettag s2;
	_ =	strace s9  }
0x27: {  	s1 =	sld [smem:$0x3FAB]  }
0x28: {  	s2 =	sld [smem:$0x3FAC]  }
0x29: {  	s4 =	sld [smem:$0x3FAE]  }
0x2a: {  	p0 =	seq.s32 s5, $0x0;
	s5 =	sld [smem:$0x3FAF]  }
0x2b: {  	s6 =	sld [smem:$0x3FB0]  }
0x2c: {  	s7 =	sld [smem:$0x3FB1]  }
0x2d: {  	s3 =	simm.s32 $0x108;
	s8 =	sld [smem:$0x3FB2]  }
0x2e: {  	s3 =	simm.s32 @!p0 $0x1082;
	s9 =	sld [smem:$0x3FB3]  }
0x2f: {  	lr =	sadd.s32 s0, s3;
	s0 =	sld [smem:$0x3FAA]  }
0x30: {  	s3 =	sld [smem:$0x3FAD]  }
0x31: {  	[smem:$0x3FB6] =	sst s10  }
0x32: {  	s10 =	sld [smem:$0x3FB4];
	_ =	sdelay $0x3  }
0x33: {  	p0 =	seq.s32 s10, $0x1;
	s10 =	sld [smem:$0x3FB6];
	_ =	sdelay $0x3  }
0x34: {  	[smem:$0x3FB6] =	sst s10  }
0x35: {  	s10 =	sld [smem:$0x3FB5];
	_ =	sdelay $0x3  }
0x36: {  	p1 =	seq.s32 s10, $0x1;
	s10 =	sld [smem:$0x3FB6];
	_ =	sdelay $0x3  }
0x37: {  	[smem:$0x3FB6] =	sst s10  }
0x38: {  	s10 =	sld [smem:$0x3FB7]  }
0x39: {  	_ = 	snop;
	(pc) =	sbr.ind lr, $3  }
0x3a: {  	_ = 	snop  }
0x3b: {  	_ = 	snop  }
0x3c: {  	p2 =	seq.s32 s10, $0x1;
	s10 =	sld [smem:$0x3FB6]  }
0x3d: {  	_ =	shalt  }
0x3e: {  	_ =	shalt  }
0x3f: {  	_ =	shalt  }
0x40: {  	_ =	shalt  }
0x41: {  	_ =	shalt  }
0x42: {  	_ =	shalt  }
0x43: {  	_ =	shalt  }
0x44: {  	_ =	shalt  }
0x45: {  	_ =	shalt  }
0x46: {  	_ =	shalt  }
0x47: {  	_ =	shalt  }
0x48: {  	_ =	shalt  }
0x49: {  	_ =	shalt  }
0x4a: {  	_ =	shalt  }
0x4b: {  	_ =	shalt  }
0x4c: {  	_ =	shalt  }
0x4d: {  	_ =	shalt  }
0x4e: {  	_ =	shalt  }
0x4f: {  	_ =	shalt  }
0x50: {  	_ =	shalt  }
0x51: {  	_ =	shalt  }
0x52: {  	_ =	shalt  }
0x53: {  	_ =	shalt  }
0x54: {  	_ =	shalt  }
0x55: {  	_ =	shalt  }
0x56: {  	_ =	shalt  }
0x57: {  	_ =	shalt  }
0x58: {  	_ =	shalt  }
0x59: {  	_ =	shalt  }
0x5a: {  	_ =	shalt  }
0x5b: {  	_ =	shalt  }
0x5c: {  	_ =	shalt  }
0x5d: {  	_ =	shalt  }
0x5e: {  	_ =	shalt  }
0x5f: {  	_ =	shalt  }
0x60: {  	_ =	shalt  }
0x61: {  	_ =	shalt  }
0x62: {  	_ =	shalt  }
0x63: {  	_ =	shalt  }
0x64: {  	_ =	shalt  }
0x65: {  	_ =	shalt  }
0x66: {  	_ =	shalt  }
0x67: {  	_ =	shalt  }
0x68: {  	_ =	shalt  }
0x69: {  	_ =	shalt  }
0x6a: {  	_ =	shalt  }
0x6b: {  	_ =	shalt  }
0x6c: {  	_ =	shalt  }
0x6d: {  	_ =	shalt  }
0x6e: {  	_ =	shalt  }
0x6f: {  	_ =	shalt  }
0x70: {  	_ =	shalt  }
0x71: {  	_ =	shalt  }
0x72: {  	_ =	shalt  }
0x73: {  	_ =	shalt  }
0x74: {  	_ =	shalt  }
0x75: {  	_ =	shalt  }
0x76: {  	_ =	shalt  }
0x77: {  	_ =	shalt  }
0x78: {  	_ =	shalt  }
0x79: {  	_ =	shalt  }
0x7a: {  	_ =	shalt  }
0x7b: {  	_ =	shalt  }
0x7c: {  	_ =	shalt  }
0x7d: {  	_ =	shalt  }
0x7e: {  	_ =	shalt  }
0x7f: {  	_ =	shalt  }
0x80: {  	_ =	shalt  }
0x81: {  	_ =	shalt  }
0x82: {  	_ =	shalt  }
0x83: {  	_ =	shalt  }
0x84: {  	_ =	shalt  }
0x85: {  	_ =	shalt  }
0x86: {  	_ =	shalt  }
0x87: {  	_ =	shalt  }
.Lfunc_end0:
.L_simem_size_0:
called_computation_lowered:
.L_overlay_start_0:
0x88: {  	s2 =	sld [smem:$0x3FD9]  }
0x89: {  	s3 =	sld [smem:$0x3FFE];
	_ =	sdelay $0x1  }
0x8a: {  	s1 =	srdreg.scid  }
0x8b: {  	s0 =	sand.u32 $0x1, s1  }
0x8c: {  	s16 =	sshll.u32 s0, $0xA;
	s2 =	sadd.s32 s3, s2  }
0x8d: {  	s2 =	sadd.s32 s2, s16  }
0x8e: {  	[smem:$0x3FC2] =	sst s2  }
0x8f: {  	_ = 	snop  }
0x90: {  	(tm) =	ssettm $0x1  }
0x91: {  	s17 =	sld [smem:$0x3FFB];
	_ =	sdelay $0x3  }
0x92: {  	_ =	strace s17  }
0x93: {  	s2 =	sld [smem:$0x3FFC];
	_ =	sdelay $0x3  }
0x94: {  	_ =	strace s2  }
0x95: {  	s2 =	sld [smem:$0x3FFD];
	_ =	sdelay $0x3  }
0x96: {  	_ =	strace s2  }
0x97: {  	_ =	strace $0x8FFFFFFF  }
0x98: {  	s18 =	sld [smem:$0x3FDB];
	_ =	sdelay $0x1  }
0x99: {  	s19 =	simm.s32 $_scs_section_size  }
0x9a: {  	s4 =	simm.s32 $_size__tile_overlayer_lowered;
	s5 =	simm.s32 $_tile_overlayer_lowered  }
0x9b: {  	s22 =	simm.s32 $0x1BFF;
	s21 =	sshll.u32 s5, $0x1;
	s2 =	sadd.s32 s19, s18  }
0x9c: {  	s6 =	simm.s32 $0x0;
	s20 =	sshll.u32 s4, $0x1;
	s4 =	sadd.s32 s21, s2  }
0x9d: {  	[timem:s6], [sflag:s22] =	dma.local [hbm:s4], s20  }
0x9e: {  	_ =	swait.ge [sflag:s22], s20  }
0x9f: {  	s3 =	ssub.s32 $0x0, s20;
	[sflag:s22] =	ssyncset.done $0x0  }
0xa0: {  	[sflag:s22] =	ssyncadd.s32 s3;
	_ =	sdelay $0x1  }
0xa1: {  	s23 =	simm.s32 $0x1B8B  }
0xa2: {  	_ =	swait.ge [sflag:s23], $0x1  }
0xa3: {  	[sflag:s23] =	ssyncset.done $0x0  }
0xa4: {  	s25 =	simm.s32 $0x1B8E;
	s24 =	sld [smem:$0x3FFE];
	[sflag:s23] =	ssyncadd.s32 $0xFFFFFFFF  }
0xa5: {  	s26 =	simm.s32 $execute0_lowered;
	[smem:$0x3FD2] =	sst s25  }
0xa6: {  	s4 =	sshll.u32 s26, $0x1;
	_ =	strace $0x80000046;
	[dreg:$0x1] =	wrdreg $0xFFFFFFFF  }
0xa7: {  	s28 =	simm.s32 $_size_execute0_lowered;
	s2 =	sadd.s32 s2, s4;
	[dreg:$0x0] =	wrdreg $0x0  }
0xa8: {  	s4 =	sshll.u32 s28, $0x1;
	[dreg:$0x2] =	wrdreg s2  }
0xa9: {  	[dreg:$0x3] =	wrdreg s4  }
0xaa: {  	[dreg:$0x4] =	wrdreg $0xC0  }
0xab: {  	_ =	task [dreg:s6], $0x5FFFF  }
0xac: {  	[dreg:$0x1] =	wrdreg $0xFFFFFFFF  }
0xad: {  	[dreg:$0x0] =	wrdreg $0x60  }
0xae: {  	[dreg:$0x2] =	wrdreg s24  }
0xaf: {  	[dreg:$0x3] =	wrdreg $0x52000  }
0xb0: {  	[dreg:$0x4] =	wrdreg $0x9  }
0xb1: {  	_ =	task.clear_ibuf [dreg:s6], $0x5FFFF;
	_ =	strace $0x90000046  }
0xb2: {  	s29 =	simm.s32 $0x9;
	_ =	strace $0x80000048  }
0xb3: {  	_ =	swait.ge [sflag:s29], $0x1  }
0xb4: {  	[sflag:s29] =	ssyncadd.s32 $0xFFFFFFFF  }
0xb5: {  	_ =	strace $0x90000048  }
0xb6: {  	_ =	sfence  }
0xb7: {  	s30 =	sld [smem:$0x0];
	_ =	sdelay $0x2  }
0xb8: {  	s31 =	sshll.u32 s1, $0xD;
	s1 =	sshrl.u32 s1, $0x2  }
0xb9: {  	s3 =	sand.u32 $0x4000, s31;
	s1 =	sadd.s32 s1, s30  }
0xba: {  	s0 =	sor.u32 s3, s0;
	s1 =	sshll.u32 s1, $0x11  }
0xbb: {  	s0 =	sor.u32 s1, s0  }
0xbc: {  	s0 =	sadd.s32 $0x8F2B, s0  }
0xbd: {  	[sflag:s0] =	ssyncadd.remote.s32 $0x1  }
0xbe: {  	_ =	sfence.sel $0xFFFF  }
0xbf: {  	[dreg:$0x0] =	wrdreg $0xFFFFFFFF;
	(pc) =	sbr.abs _section_cstart, $3  }
0xc0: {  	[dreg:$0x1] =	wrdreg $0xFFFFFFFF  }
0xc1: {  	_ =	task.clear_ibuf [dreg:s6], $0x2FFFF;
	_ =	strace $0x9FFFFFFF  }
0xc2: {  	(tm) =	ssettm $0x7FFFFFFF  }
0xc3: {  	_ =	shalt  }
tec
execute0_lowered:
.L_overlay_start_1:
0x0: {  	(tag) =	ssettag $0x1  }
0x1: {  	s5 =	rddreg [dreg:$0x0]  }
0x2: {  	s2 =	rddreg [dreg:$0x1]  }
0x3: {  	s1 =	stileid.u32;
	s3 =	srdreg.scid  }
0x4: {  	s0 =	rddreg [dreg:$0x2];
	s12 =	simm.s32 $0x80;
	s13 =	simm.s32 $0x5000  }
0x5: {  	s14 =	simm.s32 $0x5080;
	s15 =	simm.s32 $0x0;
	s4 =	sand.u32 $0x1, s3  }
0x6: {  	s6 =	sshll.u32 s1, $0x1;
	s3 =	simm.s32 $0x0;
	s7 =	smul.u32 $0xA00, s1  }
0x7: {  	s31 =	sshll.u32 s1, $0x6;
	s6 =	sor.u32 s4, s6;
	[smem:$0x7FF] =	sst s3  }
0x8: {  	s10 =	ssub.s32 $0x2, s4;
	s4 =	sadd.s32 $0xD400, s5;
	s8 =	smul.u32 $0x140, s6  }
0x9: {  	_ =	strace $0x80000047;
	s28 =	sadd.s32 s7, s5;
	s29 =	sshrl.u32 s10, $0x1  }
0xa: {  	s30 =	sshrl.u32 s7, $0x2;
	s10 =	ssub.s32 s10, s29;
	s9 =	sshrl.u32 s8, $0x3  }
0xb: {  	s11 =	sadd.s32 s30, s2;
	s6 =	sadd.s32 $0x3400, s28;
	s9 =	sadd.s32 s9, s5  }
0xc: {  	s7 =	sadd.s32 s8, s2;
	s5 =	sor.u32 $0x1C01, s31;
	s8 =	sadd.s32 $0xD600, s9  }
0xd: {  	v0 =	vimm.f32 $1.000000000e+00;
	s9 =	smax.u32 s10, $0x1;
	s10 =	sshrl.u32 s11, $0x3;
	s11 =	simm.s32 $0x1  }
.LBB2_1:
0xe: {  	[spmem:s10], [sflag:s5] =	dma.local [hbm:s4], $0x50  }
0xf: {  	_ =	swait.ge [sflag:s11], $0x50  }
0x10: {  	[sflag:s11] =	ssyncset.done $0x0  }
0x11: {  	[sflag:s11] =	ssyncadd.s32 $0xFFFFFFB0  }
0x12: {  	[tilespmem:s3], [sflag:$0x1] =	stream.linear.gather [hbm4b:s6+s3], $0x5000, $0x38;
	[tilespmem:$0x5480] =	vst v63  }
0x13: {  	_ =	swait.ge [sflag:s11], $0x5000  }
0x14: {  	[sflag:s11] =	ssyncset.done $0x0  }
0x15: {  	[sflag:s11] =	ssyncadd.s32 $0xFFFFB000  }
0x16: {  	[tilespmem:$0x5000] =	vst v0  }
0x17: {  	[tilespmem:$0x5010] =	vst v0  }
0x18: {  	[tilespmem:$0x5020] =	vst v0  }
0x19: {  	[tilespmem:$0x5030] =	vst v0  }
0x1a: {  	[tilespmem:$0x5040] =	vst v0  }
0x1b: {  	[tilespmem:$0x5050] =	vst v0  }
0x1c: {  	[tilespmem:$0x5060] =	vst v0  }
0x1d: {  	[tilespmem:$0x5070] =	vst v0  }
0x1e: {  	s16 =	simm.s32 $0x0;
	[bflag:$0x0] =	sbarrier.arrive $0xFFFF  }
0x1f: {  	[spmem:s2] =	stream.indirect.scatter.add.f32 [tilespmem:s13], [sflag:$0x1], $0x1, s16, s12, $0xb8;
	[tilespmem:$0x5480] =	vst v63  }
0x20: {  	_ =	swait.ge [sflag:s11], $0x80  }
0x21: {  	s16 =	simm.s32 $0x200;
	[sflag:s11] =	ssyncset.done $0x0  }
.LBB2_2:
0x22: {  	s17 =	sshra.s32 s16, $0x2;
	[sflag:s11] =	ssyncadd.s32 $0xFFFFFF80;
	p0 =	sne.s32 s16, $0x13E00  }
0x23: {  	[spmem:s2] =	stream.indirect.scatter.add.f32 [tilespmem:s13], [sflag:$0x1], $0x1, s17, s12, $0xb8;
	[tilespmem:$0x5480] =	vst v63  }
.Ltmp0:
0x24: {  	_ = 	snop;
	(pc) =	sbr.rel @p0 .LBB2_2-.Ltmp0, $4  }
0x25: {  	_ = 	snop  }
0x26: {  	s16 =	sadd.s32 $0x200, s16  }
0x27: {  	_ =	swait.ge [sflag:s11], $0x80  }
0x28: {  	[sflag:s11] =	ssyncset.done $0x0  }
0x29: {  	[sflag:s11] =	ssyncadd.s32 $0xFFFFFF80  }
0x2a: {  	[bflag:$0x0] =	sbarrier.arrive $0xFFFF  }
0x2b: {  	[tilespmem:s14], [sflag:$0x1] =	stream.linear.gather [spmem:s7], $0x140, $0x38;
	[tilespmem:$0x5480] =	vst v63  }
0x2c: {  	_ =	swait.ge [sflag:s11], $0x140  }
0x2d: {  	[sflag:s11] =	ssyncset.done $0x0  }
0x2e: {  	s16 =	simm.s32 $0x0;
	s17 =	simm.s32 $0x40;
	[sflag:s11] =	ssyncadd.s32 $0xFFFFFEC0  }
.LBB2_4:
0x2f: {  	p0 =	sne.s32 s17, $0x4C0;
	v1 =	vld [tilespmem:s16+$0x5080];
	_ =	sdelay $0x4  }
0x30: {  	v1 =	vadd.f32 $1.000000000e+00, v1;
	_ =	sdelay $0x1  }
0x31: {  	v2 =	vshra.s32 v1, $0x1;
	v1 =	vmul.f32 $5.000000000e-01, v1  }
0x32: {  	v2 =	vsub.s32 $0x5F3759DF, v2  }
0x33: {  	v3 =	vmul.f32 v2, v1;
	_ =	sdelay $0x1  }
0x34: {  	v3 =	vmul.f32 v2, v3;
	_ =	sdelay $0x1  }
0x35: {  	v3 =	vsub.f32 $1.500000000e+00, v3;
	_ =	sdelay $0x1  }
0x36: {  	v2 =	vmul.f32 v2, v3;
	_ =	sdelay $0x1  }
0x37: {  	v3 =	vmul.f32 v2, v1;
	_ =	sdelay $0x1  }
0x38: {  	v3 =	vmul.f32 v3, v2;
	_ =	sdelay $0x1  }
0x39: {  	v3 =	vsub.f32 $1.500000000e+00, v3;
	_ =	sdelay $0x1  }
0x3a: {  	v2 =	vmul.f32 v3, v2;
	_ =	sdelay $0x1  }
0x3b: {  	v1 =	vmul.f32 v2, v1;
	_ =	sdelay $0x1  }
0x3c: {  	v1 =	vmul.f32 v1, v2;
	_ =	sdelay $0x1  }
.Ltmp1:
0x3d: {  	v1 =	vsub.f32 $1.500000000e+00, v1;
	(pc) =	sbr.rel @p0 .LBB2_4-.Ltmp1, $3  }
0x3e: {  	_ = 	snop  }
0x3f: {  	v1 =	vmul.f32 v1, v2;
	_ =	sdelay $0x1  }
0x40: {  	[tilespmem:s16+$0x5080] =	vst v1;
	s16 =	sshra.s32 s17, $0x2;
	s17 =	sadd.s32 $0x40, s17  }
0x41: {  	v1 =	vld [tilespmem:s16+$0x5080];
	_ =	sdelay $0x4  }
0x42: {  	v1 =	vadd.f32 $1.000000000e+00, v1;
	_ =	sdelay $0x1  }
0x43: {  	v2 =	vshra.s32 v1, $0x1;
	v1 =	vmul.f32 $5.000000000e-01, v1  }
0x44: {  	v2 =	vsub.s32 $0x5F3759DF, v2  }
0x45: {  	v3 =	vmul.f32 v2, v1;
	_ =	sdelay $0x1  }
0x46: {  	v3 =	vmul.f32 v2, v3;
	_ =	sdelay $0x1  }
0x47: {  	v3 =	vsub.f32 $1.500000000e+00, v3;
	_ =	sdelay $0x1  }
0x48: {  	v2 =	vmul.f32 v2, v3;
	_ =	sdelay $0x1  }
0x49: {  	v3 =	vmul.f32 v2, v1;
	_ =	sdelay $0x1  }
0x4a: {  	v3 =	vmul.f32 v3, v2;
	_ =	sdelay $0x1  }
0x4b: {  	v3 =	vsub.f32 $1.500000000e+00, v3;
	_ =	sdelay $0x1  }
0x4c: {  	v2 =	vmul.f32 v3, v2;
	_ =	sdelay $0x1  }
0x4d: {  	v1 =	vmul.f32 v2, v1;
	_ =	sdelay $0x1  }
0x4e: {  	v1 =	vmul.f32 v1, v2;
	_ =	sdelay $0x1  }
0x4f: {  	v1 =	vsub.f32 $1.500000000e+00, v1;
	_ =	sdelay $0x1  }
0x50: {  	s15 =	sadd.s32 $0x1, s15;
	v1 =	vmul.f32 v1, v2  }
0x51: {  	p0 =	sne.s32 s15, s9  }
.Ltmp2:
0x52: {  	[tilespmem:s16+$0x5080] =	vst v1;
	(pc) =	sbr.rel @p0 .LBB2_1-.Ltmp2, $4  }
0x53: {  	[hbm4b:s8+s3] =	stream.linear.scatter [tilespmem:s14], [sflag:$0x1], $0x140, $0x38;
	[tilespmem:$0x5480] =	vst v63  }
0x54: {  	_ =	swait.ge [sflag:s11], $0x140  }
0x55: {  	[sflag:s11] =	ssyncset.done $0x0  }
0x56: {  	[sflag:s11] =	ssyncadd.s32 $0xFFFFFEC0  }
0x57: {  	_ =	sfence.sel $0x180000  }
0x58: {  	[bflag:$0x0] =	sbarrier.arrive $0xFFFF  }
0x59: {  	p0 =	sne.s32 s1, $0x0;
	_ =	strace $0x90000047  }
0x5a: {  	s0 =	sadd.s32 @!p0 $0x100000, s0;
	[bflag:$0x2] =	sbarrier.arrive $0xFFFF  }
0x5b: {  	[sflag:s0] =	ssyncadd.tile.s32 @!p0 $0x1;
	_ =	shalt  }
.Lfunc_end2:
_tile_overlayer_lowered:
.L_overlay_start_2:
0x5c: {  	(tag) =	ssettag $0x2  }
0x5d: {  	s0 =	rddreg [dreg:$0x0];
	s2 =	stileid.u32  }
0x5e: {  	s1 =	rddreg [dreg:$0x1];
	p0 =	sne.s32 s2, $0x0  }
0x5f: {  	s3 =	rddreg [dreg:$0x2];
	[bflag:$0x3] =	sbarrier.arrive $0xFFFF;
	s2 =	simm.s32 @!p0 $0x1C01  }
0x60: {  	[timem:s3], [sflag:s2] =	dma.local @!p0 [hbm:s0], s1  }
0x61: {  	s0 =	simm.s32 @!p0 $0x1  }
0x62: {  	_ =	swait.ge @!p0 [sflag:s0], s1  }
0x63: {  	s1 =	ssub.s32 @!p0 $0x0, s1;
	[sflag:s0] =	ssyncset.done @!p0 $0x0  }
0x64: {  	[sflag:s0] =	ssyncadd.s32 @!p0 s1  }
0x65: {  	[bflag:$0x3] =	sbarrier.arrive $0xFFFF  }
0x66: {  	_ =	shalt  }

</sc_bundles>
